<compile_context>
chip_gen: v7x
topology: tpu7x:2x2x1
jax: 0.10.2.dev20260603
libtpu: 0.0.44.dev20260713+nightly
codegen_flags: <defaults>
</compile_context>

<pallas_src>
import jax
import jax.numpy as jnp
from jax import lax
from jax.experimental import pallas as pl
from jax.experimental.pallas import tpu as pltpu
from jax.experimental.pallas import tpu_sc as plsc

_N = 81
_F = 10
_E = 2048
_R = 88
_K = 96
_NS = 16
_EPW = _E // _NS
_L = 16


def _hist_body(edge_hbm, out_hbm, src_v, dst_v, hist_v, sem):
    s = lax.axis_index("s")
    base = s * _EPW
    cp_src = pltpu.async_copy(edge_hbm.at[0, pl.ds(base, _EPW)], src_v, sem)
    cp_dst = pltpu.async_copy(edge_hbm.at[1, pl.ds(base, _EPW)], dst_v, sem)

    zeros = jnp.zeros((_L,), jnp.float32)

    def zbody(i, carry):
        for r in range(8):
            for j in range(_K // _L):
                hist_v[i * 8 + r, pl.ds(j * _L, _L)] = zeros
        return carry

    lax.fori_loop(0, _R // 8, zbody, 0)

    cp_src.wait()
    cp_dst.wait()

    one0 = jnp.where(lax.iota(jnp.int32, _L) == 0, 1.0, 0.0)

    def ebody(k, carry):
        sv = src_v[pl.ds(k * _L, _L)]
        dv = dst_v[pl.ds(k * _L, _L)]
        for j in range(_L):
            d = dv[j]
            sidx = sv[j]
            w = hist_v[d, pl.ds(sidx, _L)]
            hist_v[d, pl.ds(sidx, _L)] = w + one0
        return carry

    lax.fori_loop(0, _EPW // _L, ebody, 0)

    pltpu.sync_copy(hist_v, out_hbm.at[pl.ds(s * _R, _R)])


def _hist_call(edge_index):
    return pl.kernel(
        _hist_body,
        out_type=jax.ShapeDtypeStruct((_NS * _R, _K), jnp.float32),
        mesh=plsc.VectorSubcoreMesh(
            core_axis_name="c", subcore_axis_name="s",
            num_cores=1, num_subcores=_NS),
        scratch_types=[
            pltpu.VMEM((_EPW,), jnp.int32),
            pltpu.VMEM((_EPW,), jnp.int32),
            pltpu.VMEM((_R, _K), jnp.float32),
            pltpu.SemaphoreType.DMA,
        ],
    )(edge_index)


def _dense_body(part_ref, x_ref, wg_ref, bg_ref, lnw_ref, lnb_ref,
                w1_ref, b1_ref, w2_ref, b2_ref, o_ref):
    C = part_ref[pl.ds(0, _R), :]
    for w in range(1, _NS):
        C = C + part_ref[pl.ds(w * _R, _R), :]
    deg = jnp.sum(C, axis=1, keepdims=True) + 1.0
    dinv = lax.rsqrt(deg)
    x88 = jnp.concatenate(
        [x_ref[...], jnp.zeros((_R - _N, _F), jnp.float32)], axis=0)
    y = dinv * x88
    y96 = jnp.concatenate(
        [y, jnp.zeros((_K - _R, _F), jnp.float32)], axis=0)
    z = lax.dot_general(C, y96, (((1,), (0,)), ((), ())),
                        precision=lax.Precision.HIGHEST,
                        preferred_element_type=jnp.float32) + y
    aggx = dinv * z
    h = jnp.dot(aggx, wg_ref[...], precision=lax.Precision.HIGHEST,
                preferred_element_type=jnp.float32) + bg_ref[...]
    h = jnp.maximum(h, 0.0)
    mu = jnp.mean(h, axis=1, keepdims=True)
    hd = h - mu
    var = jnp.mean(hd * hd, axis=1, keepdims=True)
    hn = hd * lax.rsqrt(var + 1e-5) * lnw_ref[...] + lnb_ref[...]
    rows = lax.broadcasted_iota(jnp.int32, (_R, 1), 0)
    hn = jnp.where(rows < _N, hn, 0.0)
    pooled = jnp.sum(hn, axis=0, keepdims=True)
    h2 = jnp.dot(pooled, w1_ref[...], precision=lax.Precision.HIGHEST,
                 preferred_element_type=jnp.float32) + b1_ref[...]
    h2 = jnp.maximum(h2, 0.0)
    logits = jnp.dot(h2, w2_ref[...], precision=lax.Precision.HIGHEST,
                     preferred_element_type=jnp.float32) + b2_ref[...]
    m = jnp.max(logits, axis=1, keepdims=True)
    ez = jnp.exp(logits - m)
    lse = jnp.log(jnp.sum(ez, axis=1, keepdims=True))
    o_ref[...] = logits - m - lse


_dense_call = pl.pallas_call(
    _dense_body,
    out_shape=jax.ShapeDtypeStruct((1, _N), jnp.float32),
)


def kernel(x, edge_index, W_gcn, b_gcn, ln_w, ln_b, W1, b1, W2, b2, device=0):
    part = _hist_call(edge_index)
    return _dense_call(part, x, W_gcn, b_gcn, ln_w, ln_b, W1, b1, W2, b2)

# --- scband reference (transcript-rebuilt; emitter-appended) ---
"""Pipeline reference for scband-reinforce-graph-46643344834924 (READ-ONLY COPY).

The authoritative reference and input builder live on the scoring server;
editing this copy changes nothing except your own understanding.
"""

import jax, jax.numpy as jnp
import numpy as np

N_NODES = 81
IN_FEAT = 10
HIDDEN = 256
ACTIONS = 81
N_EDGES = 2048


def setup_inputs(seed: int = 0) -> dict:
    key = jax.random.key(seed)
    ks = jax.random.split(key, 12)
    x = jax.random.normal(ks[0], (N_NODES, IN_FEAT), dtype=jnp.float32)
    edge_index = jax.random.randint(ks[1], (2, N_EDGES), 0, N_NODES, dtype=jnp.int32)
    W_gcn = jax.random.normal(ks[2], (IN_FEAT, HIDDEN), dtype=jnp.float32) * (1.0 / np.sqrt(IN_FEAT))
    b_gcn = jnp.zeros((HIDDEN,), dtype=jnp.float32)
    ln_w = jnp.ones((HIDDEN,), dtype=jnp.float32)
    ln_b = jnp.zeros((HIDDEN,), dtype=jnp.float32)
    W1 = jax.random.normal(ks[3], (HIDDEN, HIDDEN), dtype=jnp.float32) * (1.0 / np.sqrt(HIDDEN))
    b1 = jnp.zeros((HIDDEN,), dtype=jnp.float32)
    W2 = jax.random.normal(ks[4], (HIDDEN, ACTIONS), dtype=jnp.float32) * (1.0 / np.sqrt(HIDDEN))
    b2 = jnp.zeros((ACTIONS,), dtype=jnp.float32)
    return {"x": x, "edge_index": edge_index, "W_gcn": W_gcn, "b_gcn": b_gcn,
            "ln_w": ln_w, "ln_b": ln_b, "W1": W1, "b1": b1, "W2": W2, "b2": b2,
            "device": 0}


def gcn_conv(x, edge_index, W, b):
    # PyG GCNConv: add self-loops, symmetric normalization, scatter-add aggregation
    n = x.shape[0]
    loop = jnp.arange(n, dtype=edge_index.dtype)
    src = jnp.concatenate([edge_index[0], loop])
    dst = jnp.concatenate([edge_index[1], loop])
    deg = jnp.zeros((n,), x.dtype).at[dst].add(1.0)
    dinv = jnp.where(deg > 0, deg ** -0.5, 0.0)
    norm = dinv[src] * dinv[dst]
    h = x @ W
    out = jnp.zeros((n, W.shape[1]), x.dtype).at[dst].add(norm[:, None] * h[src])
    return out + b


def layer_norm(x, w, b, eps=1e-5):
    mu = jnp.mean(x, axis=-1, keepdims=True)
    var = jnp.var(x, axis=-1, keepdims=True)
    return (x - mu) / jnp.sqrt(var + eps) * w + b


def reference(x, edge_index, W_gcn, b_gcn, ln_w, ln_b, W1, b1, W2, b2, device=0):
    h = jax.nn.relu(gcn_conv(x, edge_index, W_gcn, b_gcn))
    h = layer_norm(h, ln_w, ln_b)
    batch = jnp.zeros((x.shape[0],), dtype=jnp.int32)
    pooled = jax.ops.segment_sum(h, batch, num_segments=1)
    h2 = jax.nn.relu(pooled @ W1 + b1)
    logits = h2 @ W2 + b2
    return jax.nn.log_softmax(logits, axis=1)

if __name__ == "__main__":
    import jax
    _d = setup_inputs()
    print(jax.jit(kernel)(*tuple(_d.values())))

</pallas_src>

<mosaic_0001>
#map = affine_map<(d0, d1) -> (0, 0)>
module attributes {stable_mosaic.version = 14 : i64} {
  func.func @_hist_body(%arg0: i32, %arg1: i32, %arg2: memref<2x2048xi32, #tpu.memory_space<hbm>>, %arg3: memref<1408x96xf32, #tpu.memory_space<hbm>>, %arg4: memref<128xi32, #tpu.memory_space<vmem>>, %arg5: memref<128xi32, #tpu.memory_space<vmem>>, %arg6: memref<88x96xf32, #tpu.memory_space<vmem>>, %arg7: memref<!tpu.dma_semaphore, #tpu.memory_space<semaphore_mem>>) attributes {dimension_semantics = [#tpu.dimension_semantics<core_parallel>, #tpu.dimension_semantics<subcore_parallel>], iteration_bounds = array<i64: 1, 16>, scalar_prefetch = 0 : i64, scratch_operands = 4 : i64, tpu.core_type = #tpu.core_type<sc_vector_subcore>, window_params = [{transform_indices = #map}, {transform_indices = #map}]} {
    %mul3A = arith.constant 128 : i32
    %mul3A_0 = arith.muli %arg1, %mul3A : i32
    %dma_start3A = arith.constant 0 : i32
    %dma_start3A_1 = tpu.memref_slice %arg2[%dma_start3A, %mul3A_0] : memref<2x2048xi32, #tpu.memory_space<hbm>> -> memref<1x128xi32, #tpu.memory_space<hbm>>
    %dma_start3A_2 = tpu.memref_squeeze %dma_start3A_1 : memref<1x128xi32, #tpu.memory_space<hbm>> -> memref<128xi32, #tpu.memory_space<hbm>>
    %dma_start3A_3 = tpu.memref_slice %arg2[%dma_start3A, %mul3A_0] : memref<2x2048xi32, #tpu.memory_space<hbm>> -> memref<1x128xi32, #tpu.memory_space<hbm>>
    %dma_start3A_4 = tpu.memref_squeeze %dma_start3A_3 : memref<1x128xi32, #tpu.memory_space<hbm>> -> memref<128xi32, #tpu.memory_space<hbm>>
    tpu.enqueue_dma source(%dma_start3A_4 : memref<128xi32, #tpu.memory_space<hbm>>) target(%arg4 : memref<128xi32, #tpu.memory_space<vmem>>) target_semaphore(%arg7 : memref<!tpu.dma_semaphore, #tpu.memory_space<semaphore_mem>>)
    %dma_start3A_5 = arith.constant 1 : i32
    %dma_start3A_6 = tpu.memref_slice %arg2[%dma_start3A_5, %mul3A_0] : memref<2x2048xi32, #tpu.memory_space<hbm>> -> memref<1x128xi32, #tpu.memory_space<hbm>>
    %dma_start3A_7 = tpu.memref_squeeze %dma_start3A_6 : memref<1x128xi32, #tpu.memory_space<hbm>> -> memref<128xi32, #tpu.memory_space<hbm>>
    %dma_start3A_8 = tpu.memref_slice %arg2[%dma_start3A_5, %mul3A_0] : memref<2x2048xi32, #tpu.memory_space<hbm>> -> memref<1x128xi32, #tpu.memory_space<hbm>>
    %dma_start3A_9 = tpu.memref_squeeze %dma_start3A_8 : memref<1x128xi32, #tpu.memory_space<hbm>> -> memref<128xi32, #tpu.memory_space<hbm>>
    tpu.enqueue_dma source(%dma_start3A_9 : memref<128xi32, #tpu.memory_space<hbm>>) target(%arg5 : memref<128xi32, #tpu.memory_space<vmem>>) target_semaphore(%arg7 : memref<!tpu.dma_semaphore, #tpu.memory_space<semaphore_mem>>)
    %broadcast_in_dim3A = arith.constant 0.000000e+00 : f32
    %broadcast_in_dim3A_10 = vector.broadcast %broadcast_in_dim3A : f32 to vector<16xf32>
    %scan3A = arith.constant 0 : i32
    %scan3A_11 = arith.constant 0 : i32
    %scan3A_12 = arith.constant 11 : i32
    %scan3A_13 = arith.addi %scan3A_11, %scan3A_12 : i32
    %scan3A_14 = arith.constant 1 : i32
    scf.for %scan3A_38 = %scan3A_11 to %scan3A_13 step %scan3A_14  : i32 {
      %mul3A_39 = arith.constant 8 : i32
      %mul3A_40 = arith.muli %scan3A_38, %mul3A_39 : i32
      %add3A = arith.constant 0 : i32
      %add3A_41 = arith.addi %mul3A_40, %add3A : i32
      %swap3A = arith.index_cast %add3A_41 : i32 to index
      %swap3A_42 = arith.constant 0 : index
      %swap3A_43 = tpu.vector_load %arg6[%swap3A, %swap3A_42] {strides = array<i32>} : memref<88x96xf32, #tpu.memory_space<vmem>>, vector<1x16xf32>,
      %swap3A_44 = vector.shape_cast %swap3A_43 : vector<1x16xf32> to vector<16xf32>
      %swap3A_45 = vector.shape_cast %broadcast_in_dim3A_10 : vector<16xf32> to vector<1x16xf32>
      tpu.vector_store %arg6[%swap3A, %swap3A_42], %swap3A_45 {strides = array<i32>} : memref<88x96xf32, #tpu.memory_space<vmem>>, vector<1x16xf32>,
      %mul3A_46 = arith.constant 8 : i32
      %mul3A_47 = arith.muli %scan3A_38, %mul3A_46 : i32
      %add3A_48 = arith.constant 0 : i32
      %add3A_49 = arith.addi %mul3A_47, %add3A_48 : i32
      %swap3A_50 = arith.index_cast %add3A_49 : i32 to index
      %swap3A_51 = arith.constant 16 : index
      %swap3A_52 = tpu.vector_load %arg6[%swap3A_50, %swap3A_51] {strides = array<i32>} : memref<88x96xf32, #tpu.memory_space<vmem>>, vector<1x16xf32>,
      %swap3A_53 = vector.shape_cast %swap3A_52 : vector<1x16xf32> to vector<16xf32>
      %swap3A_54 = vector.shape_cast %broadcast_in_dim3A_10 : vector<16xf32> to vector<1x16xf32>
      tpu.vector_store %arg6[%swap3A_50, %swap3A_51], %swap3A_54 {strides = array<i32>} : memref<88x96xf32, #tpu.memory_space<vmem>>, vector<1x16xf32>,
      %mul3A_55 = arith.constant 8 : i32
      %mul3A_56 = arith.muli %scan3A_38, %mul3A_55 : i32
      %add3A_57 = arith.constant 0 : i32
      %add3A_58 = arith.addi %mul3A_56, %add3A_57 : i32
      %swap3A_59 = arith.index_cast %add3A_58 : i32 to index
      %swap3A_60 = arith.constant 32 : index
      %swap3A_61 = tpu.vector_load %arg6[%swap3A_59, %swap3A_60] {strides = array<i32>} : memref<88x96xf32, #tpu.memory_space<vmem>>, vector<1x16xf32>,
      %swap3A_62 = vector.shape_cast %swap3A_61 : vector<1x16xf32> to vector<16xf32>
      %swap3A_63 = vector.shape_cast %broadcast_in_dim3A_10 : vector<16xf32> to vector<1x16xf32>
      tpu.vector_store %arg6[%swap3A_59, %swap3A_60], %swap3A_63 {strides = array<i32>} : memref<88x96xf32, #tpu.memory_space<vmem>>, vector<1x16xf32>,
      %mul3A_64 = arith.constant 8 : i32
      %mul3A_65 = arith.muli %scan3A_38, %mul3A_64 : i32
      %add3A_66 = arith.constant 0 : i32
      %add3A_67 = arith.addi %mul3A_65, %add3A_66 : i32
      %swap3A_68 = arith.index_cast %add3A_67 : i32 to index
      %swap3A_69 = arith.constant 48 : index
      %swap3A_70 = tpu.vector_load %arg6[%swap3A_68, %swap3A_69] {strides = array<i32>} : memref<88x96xf32, #tpu.memory_space<vmem>>, vector<1x16xf32>,
      %swap3A_71 = vector.shape_cast %swap3A_70 : vector<1x16xf32> to vector<16xf32>
      %swap3A_72 = vector.shape_cast %broadcast_in_dim3A_10 : vector<16xf32> to vector<1x16xf32>
      tpu.vector_store %arg6[%swap3A_68, %swap3A_69], %swap3A_72 {strides = array<i32>} : memref<88x96xf32, #tpu.memory_space<vmem>>, vector<1x16xf32>,
      %mul3A_73 = arith.constant 8 : i32
      %mul3A_74 = arith.muli %scan3A_38, %mul3A_73 : i32
      %add3A_75 = arith.constant 0 : i32
      %add3A_76 = arith.addi %mul3A_74, %add3A_75 : i32
      %swap3A_77 = arith.index_cast %add3A_76 : i32 to index
      %swap3A_78 = arith.constant 64 : index
      %swap3A_79 = tpu.vector_load %arg6[%swap3A_77, %swap3A_78] {strides = array<i32>} : memref<88x96xf32, #tpu.memory_space<vmem>>, vector<1x16xf32>,
      %swap3A_80 = vector.shape_cast %swap3A_79 : vector<1x16xf32> to vector<16xf32>
      %swap3A_81 = vector.shape_cast %broadcast_in_dim3A_10 : vector<16xf32> to vector<1x16xf32>
      tpu.vector_store %arg6[%swap3A_77, %swap3A_78], %swap3A_81 {strides = array<i32>} : memref<88x96xf32, #tpu.memory_space<vmem>>, vector<1x16xf32>,
      %mul3A_82 = arith.constant 8 : i32
      %mul3A_83 = arith.muli %scan3A_38, %mul3A_82 : i32
      %add3A_84 = arith.constant 0 : i32
      %add3A_85 = arith.addi %mul3A_83, %add3A_84 : i32
      %swap3A_86 = arith.index_cast %add3A_85 : i32 to index
      %swap3A_87 = arith.constant 80 : index
      %swap3A_88 = tpu.vector_load %arg6[%swap3A_86, %swap3A_87] {strides = array<i32>} : memref<88x96xf32, #tpu.memory_space<vmem>>, vector<1x16xf32>,
      %swap3A_89 = vector.shape_cast %swap3A_88 : vector<1x16xf32> to vector<16xf32>
      %swap3A_90 = vector.shape_cast %broadcast_in_dim3A_10 : vector<16xf32> to vector<1x16xf32>
      tpu.vector_store %arg6[%swap3A_86, %swap3A_87], %swap3A_90 {strides = array<i32>} : memref<88x96xf32, #tpu.memory_space<vmem>>, vector<1x16xf32>,
      %mul3A_91 = arith.constant 8 : i32
      %mul3A_92 = arith.muli %scan3A_38, %mul3A_91 : i32
      %add3A_93 = arith.constant 1 : i32
      %add3A_94 = arith.addi %mul3A_92, %add3A_93 : i32
      %swap3A_95 = arith.index_cast %add3A_94 : i32 to index
      %swap3A_96 = arith.constant 0 : index
      %swap3A_97 = tpu.vector_load %arg6[%swap3A_95, %swap3A_96] {strides = array<i32>} : memref<88x96xf32, #tpu.memory_space<vmem>>, vector<1x16xf32>,
      %swap3A_98 = vector.shape_cast %swap3A_97 : vector<1x16xf32> to vector<16xf32>
      %swap3A_99 = vector.shape_cast %broadcast_in_dim3A_10 : vector<16xf32> to vector<1x16xf32>
      tpu.vector_store %arg6[%swap3A_95, %swap3A_96], %swap3A_99 {strides = array<i32>} : memref<88x96xf32, #tpu.memory_space<vmem>>, vector<1x16xf32>,
      %mul3A_100 = arith.constant 8 : i32
      %mul3A_101 = arith.muli %scan3A_38, %mul3A_100 : i32
      %add3A_102 = arith.constant 1 : i32
      %add3A_103 = arith.addi %mul3A_101, %add3A_102 : i32
      %swap3A_104 = arith.index_cast %add3A_103 : i32 to index
      %swap3A_105 = arith.constant 16 : index
      %swap3A_106 = tpu.vector_load %arg6[%swap3A_104, %swap3A_105] {strides = array<i32>} : memref<88x96xf32, #tpu.memory_space<vmem>>, vector<1x16xf32>,
      %swap3A_107 = vector.shape_cast %swap3A_106 : vector<1x16xf32> to vector<16xf32>
      %swap3A_108 = vector.shape_cast %broadcast_in_dim3A_10 : vector<16xf32> to vector<1x16xf32>
      tpu.vector_store %arg6[%swap3A_104, %swap3A_105], %swap3A_108 {strides = array<i32>} : memref<88x96xf32, #tpu.memory_space<vmem>>, vector<1x16xf32>,
      %mul3A_109 = arith.constant 8 : i32
      %mul3A_110 = arith.muli %scan3A_38, %mul3A_109 : i32
      %add3A_111 = arith.constant 1 : i32
      %add3A_112 = arith.addi %mul3A_110, %add3A_111 : i32
      %swap3A_113 = arith.index_cast %add3A_112 : i32 to index
      %swap3A_114 = arith.constant 32 : index
      %swap3A_115 = tpu.vector_load %arg6[%swap3A_113, %swap3A_114] {strides = array<i32>} : memref<88x96xf32, #tpu.memory_space<vmem>>, vector<1x16xf32>,
      %swap3A_116 = vector.shape_cast %swap3A_115 : vector<1x16xf32> to vector<16xf32>
      %swap3A_117 = vector.shape_cast %broadcast_in_dim3A_10 : vector<16xf32> to vector<1x16xf32>
      tpu.vector_store %arg6[%swap3A_113, %swap3A_114], %swap3A_117 {strides = array<i32>} : memref<88x96xf32, #tpu.memory_space<vmem>>, vector<1x16xf32>,
      %mul3A_118 = arith.constant 8 : i32
      %mul3A_119 = arith.muli %scan3A_38, %mul3A_118 : i32
      %add3A_120 = arith.constant 1 : i32
      %add3A_121 = arith.addi %mul3A_119, %add3A_120 : i32
      %swap3A_122 = arith.index_cast %add3A_121 : i32 to index
      %swap3A_123 = arith.constant 48 : index
      %swap3A_124 = tpu.vector_load %arg6[%swap3A_122, %swap3A_123] {strides = array<i32>} : memref<88x96xf32, #tpu.memory_space<vmem>>, vector<1x16xf32>,
      %swap3A_125 = vector.shape_cast %swap3A_124 : vector<1x16xf32> to vector<16xf32>
      %swap3A_126 = vector.shape_cast %broadcast_in_dim3A_10 : vector<16xf32> to vector<1x16xf32>
      tpu.vector_store %arg6[%swap3A_122, %swap3A_123], %swap3A_126 {strides = array<i32>} : memref<88x96xf32, #tpu.memory_space<vmem>>, vector<1x16xf32>,
      %mul3A_127 = arith.constant 8 : i32
      %mul3A_128 = arith.muli %scan3A_38, %mul3A_127 : i32
      %add3A_129 = arith.constant 1 : i32
      %add3A_130 = arith.addi %mul3A_128, %add3A_129 : i32
      %swap3A_131 = arith.index_cast %add3A_130 : i32 to index
      %swap3A_132 = arith.constant 64 : index
      %swap3A_133 = tpu.vector_load %arg6[%swap3A_131, %swap3A_132] {strides = array<i32>} : memref<88x96xf32, #tpu.memory_space<vmem>>, vector<1x16xf32>,
      %swap3A_134 = vector.shape_cast %swap3A_133 : vector<1x16xf32> to vector<16xf32>
      %swap3A_135 = vector.shape_cast %broadcast_in_dim3A_10 : vector<16xf32> to vector<1x16xf32>
      tpu.vector_store %arg6[%swap3A_131, %swap3A_132], %swap3A_135 {strides = array<i32>} : memref<88x96xf32, #tpu.memory_space<vmem>>, vector<1x16xf32>,
      %mul3A_136 = arith.constant 8 : i32
      %mul3A_137 = arith.muli %scan3A_38, %mul3A_136 : i32
      %add3A_138 = arith.constant 1 : i32
      %add3A_139 = arith.addi %mul3A_137, %add3A_138 : i32
      %swap3A_140 = arith.index_cast %add3A_139 : i32 to index
      %swap3A_141 = arith.constant 80 : index
      %swap3A_142 = tpu.vector_load %arg6[%swap3A_140, %swap3A_141] {strides = array<i32>} : memref<88x96xf32, #tpu.memory_space<vmem>>, vector<1x16xf32>,
      %swap3A_143 = vector.shape_cast %swap3A_142 : vector<1x16xf32> to vector<16xf32>
      %swap3A_144 = vector.shape_cast %broadcast_in_dim3A_10 : vector<16xf32> to vector<1x16xf32>
      tpu.vector_store %arg6[%swap3A_140, %swap3A_141], %swap3A_144 {strides = array<i32>} : memref<88x96xf32, #tpu.memory_space<vmem>>, vector<1x16xf32>,
      %mul3A_145 = arith.constant 8 : i32
      %mul3A_146 = arith.muli %scan3A_38, %mul3A_145 : i32
      %add3A_147 = arith.constant 2 : i32
      %add3A_148 = arith.addi %mul3A_146, %add3A_147 : i32
      %swap3A_149 = arith.index_cast %add3A_148 : i32 to index
      %swap3A_150 = arith.constant 0 : index
      %swap3A_151 = tpu.vector_load %arg6[%swap3A_149, %swap3A_150] {strides = array<i32>} : memref<88x96xf32, #tpu.memory_space<vmem>>, vector<1x16xf32>,
      %swap3A_152 = vector.shape_cast %swap3A_151 : vector<1x16xf32> to vector<16xf32>
      %swap3A_153 = vector.shape_cast %broadcast_in_dim3A_10 : vector<16xf32> to vector<1x16xf32>
      tpu.vector_store %arg6[%swap3A_149, %swap3A_150], %swap3A_153 {strides = array<i32>} : memref<88x96xf32, #tpu.memory_space<vmem>>, vector<1x16xf32>,
      %mul3A_154 = arith.constant 8 : i32
      %mul3A_155 = arith.muli %scan3A_38, %mul3A_154 : i32
      %add3A_156 = arith.constant 2 : i32
      %add3A_157 = arith.addi %mul3A_155, %add3A_156 : i32
      %swap3A_158 = arith.index_cast %add3A_157 : i32 to index
      %swap3A_159 = arith.constant 16 : index
      %swap3A_160 = tpu.vector_load %arg6[%swap3A_158, %swap3A_159] {strides = array<i32>} : memref<88x96xf32, #tpu.memory_space<vmem>>, vector<1x16xf32>,
      %swap3A_161 = vector.shape_cast %swap3A_160 : vector<1x16xf32> to vector<16xf32>
      %swap3A_162 = vector.shape_cast %broadcast_in_dim3A_10 : vector<16xf32> to vector<1x16xf32>
      tpu.vector_store %arg6[%swap3A_158, %swap3A_159], %swap3A_162 {strides = array<i32>} : memref<88x96xf32, #tpu.memory_space<vmem>>, vector<1x16xf32>,
      %mul3A_163 = arith.constant 8 : i32
      %mul3A_164 = arith.muli %scan3A_38, %mul3A_163 : i32
      %add3A_165 = arith.constant 2 : i32
      %add3A_166 = arith.addi %mul3A_164, %add3A_165 : i32
      %swap3A_167 = arith.index_cast %add3A_166 : i32 to index
      %swap3A_168 = arith.constant 32 : index
      %swap3A_169 = tpu.vector_load %arg6[%swap3A_167, %swap3A_168] {strides = array<i32>} : memref<88x96xf32, #tpu.memory_space<vmem>>, vector<1x16xf32>,
      %swap3A_170 = vector.shape_cast %swap3A_169 : vector<1x16xf32> to vector<16xf32>
      %swap3A_171 = vector.shape_cast %broadcast_in_dim3A_10 : vector<16xf32> to vector<1x16xf32>
      tpu.vector_store %arg6[%swap3A_167, %swap3A_168], %swap3A_171 {strides = array<i32>} : memref<88x96xf32, #tpu.memory_space<vmem>>, vector<1x16xf32>,
      %mul3A_172 = arith.constant 8 : i32
      %mul3A_173 = arith.muli %scan3A_38, %mul3A_172 : i32
      %add3A_174 = arith.constant 2 : i32
      %add3A_175 = arith.addi %mul3A_173, %add3A_174 : i32
      %swap3A_176 = arith.index_cast %add3A_175 : i32 to index
      %swap3A_177 = arith.constant 48 : index
      %swap3A_178 = tpu.vector_load %arg6[%swap3A_176, %swap3A_177] {strides = array<i32>} : memref<88x96xf32, #tpu.memory_space<vmem>>, vector<1x16xf32>,
      %swap3A_179 = vector.shape_cast %swap3A_178 : vector<1x16xf32> to vector<16xf32>
      %swap3A_180 = vector.shape_cast %broadcast_in_dim3A_10 : vector<16xf32> to vector<1x16xf32>
      tpu.vector_store %arg6[%swap3A_176, %swap3A_177], %swap3A_180 {strides = array<i32>} : memref<88x96xf32, #tpu.memory_space<vmem>>, vector<1x16xf32>,
      %mul3A_181 = arith.constant 8 : i32
      %mul3A_182 = arith.muli %scan3A_38, %mul3A_181 : i32
      %add3A_183 = arith.constant 2 : i32
      %add3A_184 = arith.addi %mul3A_182, %add3A_183 : i32
      %swap3A_185 = arith.index_cast %add3A_184 : i32 to index
      %swap3A_186 = arith.constant 64 : index
      %swap3A_187 = tpu.vector_load %arg6[%swap3A_185, %swap3A_186] {strides = array<i32>} : memref<88x96xf32, #tpu.memory_space<vmem>>, vector<1x16xf32>,
      %swap3A_188 = vector.shape_cast %swap3A_187 : vector<1x16xf32> to vector<16xf32>
      %swap3A_189 = vector.shape_cast %broadcast_in_dim3A_10 : vector<16xf32> to vector<1x16xf32>
      tpu.vector_store %arg6[%swap3A_185, %swap3A_186], %swap3A_189 {strides = array<i32>} : memref<88x96xf32, #tpu.memory_space<vmem>>, vector<1x16xf32>,
      %mul3A_190 = arith.constant 8 : i32
      %mul3A_191 = arith.muli %scan3A_38, %mul3A_190 : i32
      %add3A_192 = arith.constant 2 : i32
      %add3A_193 = arith.addi %mul3A_191, %add3A_192 : i32
      %swap3A_194 = arith.index_cast %add3A_193 : i32 to index
      %swap3A_195 = arith.constant 80 : index
      %swap3A_196 = tpu.vector_load %arg6[%swap3A_194, %swap3A_195] {strides = array<i32>} : memref<88x96xf32, #tpu.memory_space<vmem>>, vector<1x16xf32>,
      %swap3A_197 = vector.shape_cast %swap3A_196 : vector<1x16xf32> to vector<16xf32>
      %swap3A_198 = vector.shape_cast %broadcast_in_dim3A_10 : vector<16xf32> to vector<1x16xf32>
      tpu.vector_store %arg6[%swap3A_194, %swap3A_195], %swap3A_198 {strides = array<i32>} : memref<88x96xf32, #tpu.memory_space<vmem>>, vector<1x16xf32>,
      %mul3A_199 = arith.constant 8 : i32
      %mul3A_200 = arith.muli %scan3A_38, %mul3A_199 : i32
      %add3A_201 = arith.constant 3 : i32
      %add3A_202 = arith.addi %mul3A_200, %add3A_201 : i32
      %swap3A_203 = arith.index_cast %add3A_202 : i32 to index
      %swap3A_204 = arith.constant 0 : index
      %swap3A_205 = tpu.vector_load %arg6[%swap3A_203, %swap3A_204] {strides = array<i32>} : memref<88x96xf32, #tpu.memory_space<vmem>>, vector<1x16xf32>,
      %swap3A_206 = vector.shape_cast %swap3A_205 : vector<1x16xf32> to vector<16xf32>
      %swap3A_207 = vector.shape_cast %broadcast_in_dim3A_10 : vector<16xf32> to vector<1x16xf32>
      tpu.vector_store %arg6[%swap3A_203, %swap3A_204], %swap3A_207 {strides = array<i32>} : memref<88x96xf32, #tpu.memory_space<vmem>>, vector<1x16xf32>,
      %mul3A_208 = arith.constant 8 : i32
      %mul3A_209 = arith.muli %scan3A_38, %mul3A_208 : i32
      %add3A_210 = arith.constant 3 : i32
      %add3A_211 = arith.addi %mul3A_209, %add3A_210 : i32
      %swap3A_212 = arith.index_cast %add3A_211 : i32 to index
      %swap3A_213 = arith.constant 16 : index
      %swap3A_214 = tpu.vector_load %arg6[%swap3A_212, %swap3A_213] {strides = array<i32>} : memref<88x96xf32, #tpu.memory_space<vmem>>, vector<1x16xf32>,
      %swap3A_215 = vector.shape_cast %swap3A_214 : vector<1x16xf32> to vector<16xf32>
      %swap3A_216 = vector.shape_cast %broadcast_in_dim3A_10 : vector<16xf32> to vector<1x16xf32>
      tpu.vector_store %arg6[%swap3A_212, %swap3A_213], %swap3A_216 {strides = array<i32>} : memref<88x96xf32, #tpu.memory_space<vmem>>, vector<1x16xf32>,
      %mul3A_217 = arith.constant 8 : i32
      %mul3A_218 = arith.muli %scan3A_38, %mul3A_217 : i32
      %add3A_219 = arith.constant 3 : i32
      %add3A_220 = arith.addi %mul3A_218, %add3A_219 : i32
      %swap3A_221 = arith.index_cast %add3A_220 : i32 to index
      %swap3A_222 = arith.constant 32 : index
      %swap3A_223 = tpu.vector_load %arg6[%swap3A_221, %swap3A_222] {strides = array<i32>} : memref<88x96xf32, #tpu.memory_space<vmem>>, vector<1x16xf32>,
      %swap3A_224 = vector.shape_cast %swap3A_223 : vector<1x16xf32> to vector<16xf32>
      %swap3A_225 = vector.shape_cast %broadcast_in_dim3A_10 : vector<16xf32> to vector<1x16xf32>
      tpu.vector_store %arg6[%swap3A_221, %swap3A_222], %swap3A_225 {strides = array<i32>} : memref<88x96xf32, #tpu.memory_space<vmem>>, vector<1x16xf32>,
      %mul3A_226 = arith.constant 8 : i32
      %mul3A_227 = arith.muli %scan3A_38, %mul3A_226 : i32
      %add3A_228 = arith.constant 3 : i32
      %add3A_229 = arith.addi %mul3A_227, %add3A_228 : i32
      %swap3A_230 = arith.index_cast %add3A_229 : i32 to index
      %swap3A_231 = arith.constant 48 : index
      %swap3A_232 = tpu.vector_load %arg6[%swap3A_230, %swap3A_231] {strides = array<i32>} : memref<88x96xf32, #tpu.memory_space<vmem>>, vector<1x16xf32>,
      %swap3A_233 = vector.shape_cast %swap3A_232 : vector<1x16xf32> to vector<16xf32>
      %swap3A_234 = vector.shape_cast %broadcast_in_dim3A_10 : vector<16xf32> to vector<1x16xf32>
      tpu.vector_store %arg6[%swap3A_230, %swap3A_231], %swap3A_234 {strides = array<i32>} : memref<88x96xf32, #tpu.memory_space<vmem>>, vector<1x16xf32>,
      %mul3A_235 = arith.constant 8 : i32
      %mul3A_236 = arith.muli %scan3A_38, %mul3A_235 : i32
      %add3A_237 = arith.constant 3 : i32
      %add3A_238 = arith.addi %mul3A_236, %add3A_237 : i32
      %swap3A_239 = arith.index_cast %add3A_238 : i32 to index
      %swap3A_240 = arith.constant 64 : index
      %swap3A_241 = tpu.vector_load %arg6[%swap3A_239, %swap3A_240] {strides = array<i32>} : memref<88x96xf32, #tpu.memory_space<vmem>>, vector<1x16xf32>,
      %swap3A_242 = vector.shape_cast %swap3A_241 : vector<1x16xf32> to vector<16xf32>
      %swap3A_243 = vector.shape_cast %broadcast_in_dim3A_10 : vector<16xf32> to vector<1x16xf32>
      tpu.vector_store %arg6[%swap3A_239, %swap3A_240], %swap3A_243 {strides = array<i32>} : memref<88x96xf32, #tpu.memory_space<vmem>>, vector<1x16xf32>,
      %mul3A_244 = arith.constant 8 : i32
      %mul3A_245 = arith.muli %scan3A_38, %mul3A_244 : i32
      %add3A_246 = arith.constant 3 : i32
      %add3A_247 = arith.addi %mul3A_245, %add3A_246 : i32
      %swap3A_248 = arith.index_cast %add3A_247 : i32 to index
      %swap3A_249 = arith.constant 80 : index
      %swap3A_250 = tpu.vector_load %arg6[%swap3A_248, %swap3A_249] {strides = array<i32>} : memref<88x96xf32, #tpu.memory_space<vmem>>, vector<1x16xf32>,
      %swap3A_251 = vector.shape_cast %swap3A_250 : vector<1x16xf32> to vector<16xf32>
      %swap3A_252 = vector.shape_cast %broadcast_in_dim3A_10 : vector<16xf32> to vector<1x16xf32>
      tpu.vector_store %arg6[%swap3A_248, %swap3A_249], %swap3A_252 {strides = array<i32>} : memref<88x96xf32, #tpu.memory_space<vmem>>, vector<1x16xf32>,
      %mul3A_253 = arith.constant 8 : i32
      %mul3A_254 = arith.muli %scan3A_38, %mul3A_253 : i32
      %add3A_255 = arith.constant 4 : i32
      %add3A_256 = arith.addi %mul3A_254, %add3A_255 : i32
      %swap3A_257 = arith.index_cast %add3A_256 : i32 to index
      %swap3A_258 = arith.constant 0 : index
      %swap3A_259 = tpu.vector_load %arg6[%swap3A_257, %swap3A_258] {strides = array<i32>} : memref<88x96xf32, #tpu.memory_space<vmem>>, vector<1x16xf32>,
      %swap3A_260 = vector.shape_cast %swap3A_259 : vector<1x16xf32> to vector<16xf32>
      %swap3A_261 = vector.shape_cast %broadcast_in_dim3A_10 : vector<16xf32> to vector<1x16xf32>
      tpu.vector_store %arg6[%swap3A_257, %swap3A_258], %swap3A_261 {strides = array<i32>} : memref<88x96xf32, #tpu.memory_space<vmem>>, vector<1x16xf32>,
      %mul3A_262 = arith.constant 8 : i32
      %mul3A_263 = arith.muli %scan3A_38, %mul3A_262 : i32
      %add3A_264 = arith.constant 4 : i32
      %add3A_265 = arith.addi %mul3A_263, %add3A_264 : i32
      %swap3A_266 = arith.index_cast %add3A_265 : i32 to index
      %swap3A_267 = arith.constant 16 : index
      %swap3A_268 = tpu.vector_load %arg6[%swap3A_266, %swap3A_267] {strides = array<i32>} : memref<88x96xf32, #tpu.memory_space<vmem>>, vector<1x16xf32>,
      %swap3A_269 = vector.shape_cast %swap3A_268 : vector<1x16xf32> to vector<16xf32>
      %swap3A_270 = vector.shape_cast %broadcast_in_dim3A_10 : vector<16xf32> to vector<1x16xf32>
      tpu.vector_store %arg6[%swap3A_266, %swap3A_267], %swap3A_270 {strides = array<i32>} : memref<88x96xf32, #tpu.memory_space<vmem>>, vector<1x16xf32>,
      %mul3A_271 = arith.constant 8 : i32
      %mul3A_272 = arith.muli %scan3A_38, %mul3A_271 : i32
      %add3A_273 = arith.constant 4 : i32
      %add3A_274 = arith.addi %mul3A_272, %add3A_273 : i32
      %swap3A_275 = arith.index_cast %add3A_274 : i32 to index
      %swap3A_276 = arith.constant 32 : index
      %swap3A_277 = tpu.vector_load %arg6[%swap3A_275, %swap3A_276] {strides = array<i32>} : memref<88x96xf32, #tpu.memory_space<vmem>>, vector<1x16xf32>,
      %swap3A_278 = vector.shape_cast %swap3A_277 : vector<1x16xf32> to vector<16xf32>
      %swap3A_279 = vector.shape_cast %broadcast_in_dim3A_10 : vector<16xf32> to vector<1x16xf32>
      tpu.vector_store %arg6[%swap3A_275, %swap3A_276], %swap3A_279 {strides = array<i32>} : memref<88x96xf32, #tpu.memory_space<vmem>>, vector<1x16xf32>,
      %mul3A_280 = arith.constant 8 : i32
      %mul3A_281 = arith.muli %scan3A_38, %mul3A_280 : i32
      %add3A_282 = arith.constant 4 : i32
      %add3A_283 = arith.addi %mul3A_281, %add3A_282 : i32
      %swap3A_284 = arith.index_cast %add3A_283 : i32 to index
      %swap3A_285 = arith.constant 48 : index
      %swap3A_286 = tpu.vector_load %arg6[%swap3A_284, %swap3A_285] {strides = array<i32>} : memref<88x96xf32, #tpu.memory_space<vmem>>, vector<1x16xf32>,
      %swap3A_287 = vector.shape_cast %swap3A_286 : vector<1x16xf32> to vector<16xf32>
      %swap3A_288 = vector.shape_cast %broadcast_in_dim3A_10 : vector<16xf32> to vector<1x16xf32>
      tpu.vector_store %arg6[%swap3A_284, %swap3A_285], %swap3A_288 {strides = array<i32>} : memref<88x96xf32, #tpu.memory_space<vmem>>, vector<1x16xf32>,
      %mul3A_289 = arith.constant 8 : i32
      %mul3A_290 = arith.muli %scan3A_38, %mul3A_289 : i32
      %add3A_291 = arith.constant 4 : i32
      %add3A_292 = arith.addi %mul3A_290, %add3A_291 : i32
      %swap3A_293 = arith.index_cast %add3A_292 : i32 to index
      %swap3A_294 = arith.constant 64 : index
      %swap3A_295 = tpu.vector_load %arg6[%swap3A_293, %swap3A_294] {strides = array<i32>} : memref<88x96xf32, #tpu.memory_space<vmem>>, vector<1x16xf32>,
      %swap3A_296 = vector.shape_cast %swap3A_295 : vector<1x16xf32> to vector<16xf32>
      %swap3A_297 = vector.shape_cast %broadcast_in_dim3A_10 : vector<16xf32> to vector<1x16xf32>
      tpu.vector_store %arg6[%swap3A_293, %swap3A_294], %swap3A_297 {strides = array<i32>} : memref<88x96xf32, #tpu.memory_space<vmem>>, vector<1x16xf32>,
      %mul3A_298 = arith.constant 8 : i32
      %mul3A_299 = arith.muli %scan3A_38, %mul3A_298 : i32
      %add3A_300 = arith.constant 4 : i32
      %add3A_301 = arith.addi %mul3A_299, %add3A_300 : i32
      %swap3A_302 = arith.index_cast %add3A_301 : i32 to index
      %swap3A_303 = arith.constant 80 : index
      %swap3A_304 = tpu.vector_load %arg6[%swap3A_302, %swap3A_303] {strides = array<i32>} : memref<88x96xf32, #tpu.memory_space<vmem>>, vector<1x16xf32>,
      %swap3A_305 = vector.shape_cast %swap3A_304 : vector<1x16xf32> to vector<16xf32>
      %swap3A_306 = vector.shape_cast %broadcast_in_dim3A_10 : vector<16xf32> to vector<1x16xf32>
      tpu.vector_store %arg6[%swap3A_302, %swap3A_303], %swap3A_306 {strides = array<i32>} : memref<88x96xf32, #tpu.memory_space<vmem>>, vector<1x16xf32>,
      %mul3A_307 = arith.constant 8 : i32
      %mul3A_308 = arith.muli %scan3A_38, %mul3A_307 : i32
      %add3A_309 = arith.constant 5 : i32
      %add3A_310 = arith.addi %mul3A_308, %add3A_309 : i32
      %swap3A_311 = arith.index_cast %add3A_310 : i32 to index
      %swap3A_312 = arith.constant 0 : index
      %swap3A_313 = tpu.vector_load %arg6[%swap3A_311, %swap3A_312] {strides = array<i32>} : memref<88x96xf32, #tpu.memory_space<vmem>>, vector<1x16xf32>,
      %swap3A_314 = vector.shape_cast %swap3A_313 : vector<1x16xf32> to vector<16xf32>
      %swap3A_315 = vector.shape_cast %broadcast_in_dim3A_10 : vector<16xf32> to vector<1x16xf32>
      tpu.vector_store %arg6[%swap3A_311, %swap3A_312], %swap3A_315 {strides = array<i32>} : memref<88x96xf32, #tpu.memory_space<vmem>>, vector<1x16xf32>,
      %mul3A_316 = arith.constant 8 : i32
      %mul3A_317 = arith.muli %scan3A_38, %mul3A_316 : i32
      %add3A_318 = arith.constant 5 : i32
      %add3A_319 = arith.addi %mul3A_317, %add3A_318 : i32
      %swap3A_320 = arith.index_cast %add3A_319 : i32 to index
      %swap3A_321 = arith.constant 16 : index
      %swap3A_322 = tpu.vector_load %arg6[%swap3A_320, %swap3A_321] {strides = array<i32>} : memref<88x96xf32, #tpu.memory_space<vmem>>, vector<1x16xf32>,
      %swap3A_323 = vector.shape_cast %swap3A_322 : vector<1x16xf32> to vector<16xf32>
      %swap3A_324 = vector.shape_cast %broadcast_in_dim3A_10 : vector<16xf32> to vector<1x16xf32>
      tpu.vector_store %arg6[%swap3A_320, %swap3A_321], %swap3A_324 {strides = array<i32>} : memref<88x96xf32, #tpu.memory_space<vmem>>, vector<1x16xf32>,
      %mul3A_325 = arith.constant 8 : i32
      %mul3A_326 = arith.muli %scan3A_38, %mul3A_325 : i32
      %add3A_327 = arith.constant 5 : i32
      %add3A_328 = arith.addi %mul3A_326, %add3A_327 : i32
      %swap3A_329 = arith.index_cast %add3A_328 : i32 to index
      %swap3A_330 = arith.constant 32 : index
      %swap3A_331 = tpu.vector_load %arg6[%swap3A_329, %swap3A_330] {strides = array<i32>} : memref<88x96xf32, #tpu.memory_space<vmem>>, vector<1x16xf32>,
      %swap3A_332 = vector.shape_cast %swap3A_331 : vector<1x16xf32> to vector<16xf32>
      %swap3A_333 = vector.shape_cast %broadcast_in_dim3A_10 : vector<16xf32> to vector<1x16xf32>
      tpu.vector_store %arg6[%swap3A_329, %swap3A_330], %swap3A_333 {strides = array<i32>} : memref<88x96xf32, #tpu.memory_space<vmem>>, vector<1x16xf32>,
      %mul3A_334 = arith.constant 8 : i32
      %mul3A_335 = arith.muli %scan3A_38, %mul3A_334 : i32
      %add3A_336 = arith.constant 5 : i32
      %add3A_337 = arith.addi %mul3A_335, %add3A_336 : i32
      %swap3A_338 = arith.index_cast %add3A_337 : i32 to index
      %swap3A_339 = arith.constant 48 : index
      %swap3A_340 = tpu.vector_load %arg6[%swap3A_338, %swap3A_339] {strides = array<i32>} : memref<88x96xf32, #tpu.memory_space<vmem>>, vector<1x16xf32>,
      %swap3A_341 = vector.shape_cast %swap3A_340 : vector<1x16xf32> to vector<16xf32>
      %swap3A_342 = vector.shape_cast %broadcast_in_dim3A_10 : vector<16xf32> to vector<1x16xf32>
      tpu.vector_store %arg6[%swap3A_338, %swap3A_339], %swap3A_342 {strides = array<i32>} : memref<88x96xf32, #tpu.memory_space<vmem>>, vector<1x16xf32>,
      %mul3A_343 = arith.constant 8 : i32
      %mul3A_344 = arith.muli %scan3A_38, %mul3A_343 : i32
      %add3A_345 = arith.constant 5 : i32
      %add3A_346 = arith.addi %mul3A_344, %add3A_345 : i32
      %swap3A_347 = arith.index_cast %add3A_346 : i32 to index
      %swap3A_348 = arith.constant 64 : index
      %swap3A_349 = tpu.vector_load %arg6[%swap3A_347, %swap3A_348] {strides = array<i32>} : memref<88x96xf32, #tpu.memory_space<vmem>>, vector<1x16xf32>,
      %swap3A_350 = vector.shape_cast %swap3A_349 : vector<1x16xf32> to vector<16xf32>
      %swap3A_351 = vector.shape_cast %broadcast_in_dim3A_10 : vector<16xf32> to vector<1x16xf32>
      tpu.vector_store %arg6[%swap3A_347, %swap3A_348], %swap3A_351 {strides = array<i32>} : memref<88x96xf32, #tpu.memory_space<vmem>>, vector<1x16xf32>,
      %mul3A_352 = arith.constant 8 : i32
      %mul3A_353 = arith.muli %scan3A_38, %mul3A_352 : i32
      %add3A_354 = arith.constant 5 : i32
      %add3A_355 = arith.addi %mul3A_353, %add3A_354 : i32
      %swap3A_356 = arith.index_cast %add3A_355 : i32 to index
      %swap3A_357 = arith.constant 80 : index
      %swap3A_358 = tpu.vector_load %arg6[%swap3A_356, %swap3A_357] {strides = array<i32>} : memref<88x96xf32, #tpu.memory_space<vmem>>, vector<1x16xf32>,
      %swap3A_359 = vector.shape_cast %swap3A_358 : vector<1x16xf32> to vector<16xf32>
      %swap3A_360 = vector.shape_cast %broadcast_in_dim3A_10 : vector<16xf32> to vector<1x16xf32>
      tpu.vector_store %arg6[%swap3A_356, %swap3A_357], %swap3A_360 {strides = array<i32>} : memref<88x96xf32, #tpu.memory_space<vmem>>, vector<1x16xf32>,
      %mul3A_361 = arith.constant 8 : i32
      %mul3A_362 = arith.muli %scan3A_38, %mul3A_361 : i32
      %add3A_363 = arith.constant 6 : i32
      %add3A_364 = arith.addi %mul3A_362, %add3A_363 : i32
      %swap3A_365 = arith.index_cast %add3A_364 : i32 to index
      %swap3A_366 = arith.constant 0 : index
      %swap3A_367 = tpu.vector_load %arg6[%swap3A_365, %swap3A_366] {strides = array<i32>} : memref<88x96xf32, #tpu.memory_space<vmem>>, vector<1x16xf32>,
      %swap3A_368 = vector.shape_cast %swap3A_367 : vector<1x16xf32> to vector<16xf32>
      %swap3A_369 = vector.shape_cast %broadcast_in_dim3A_10 : vector<16xf32> to vector<1x16xf32>
      tpu.vector_store %arg6[%swap3A_365, %swap3A_366], %swap3A_369 {strides = array<i32>} : memref<88x96xf32, #tpu.memory_space<vmem>>, vector<1x16xf32>,
      %mul3A_370 = arith.constant 8 : i32
      %mul3A_371 = arith.muli %scan3A_38, %mul3A_370 : i32
      %add3A_372 = arith.constant 6 : i32
      %add3A_373 = arith.addi %mul3A_371, %add3A_372 : i32
      %swap3A_374 = arith.index_cast %add3A_373 : i32 to index
      %swap3A_375 = arith.constant 16 : index
      %swap3A_376 = tpu.vector_load %arg6[%swap3A_374, %swap3A_375] {strides = array<i32>} : memref<88x96xf32, #tpu.memory_space<vmem>>, vector<1x16xf32>,
      %swap3A_377 = vector.shape_cast %swap3A_376 : vector<1x16xf32> to vector<16xf32>
      %swap3A_378 = vector.shape_cast %broadcast_in_dim3A_10 : vector<16xf32> to vector<1x16xf32>
      tpu.vector_store %arg6[%swap3A_374, %swap3A_375], %swap3A_378 {strides = array<i32>} : memref<88x96xf32, #tpu.memory_space<vmem>>, vector<1x16xf32>,
      %mul3A_379 = arith.constant 8 : i32
      %mul3A_380 = arith.muli %scan3A_38, %mul3A_379 : i32
      %add3A_381 = arith.constant 6 : i32
      %add3A_382 = arith.addi %mul3A_380, %add3A_381 : i32
      %swap3A_383 = arith.index_cast %add3A_382 : i32 to index
      %swap3A_384 = arith.constant 32 : index
      %swap3A_385 = tpu.vector_load %arg6[%swap3A_383, %swap3A_384] {strides = array<i32>} : memref<88x96xf32, #tpu.memory_space<vmem>>, vector<1x16xf32>,
      %swap3A_386 = vector.shape_cast %swap3A_385 : vector<1x16xf32> to vector<16xf32>
      %swap3A_387 = vector.shape_cast %broadcast_in_dim3A_10 : vector<16xf32> to vector<1x16xf32>
      tpu.vector_store %arg6[%swap3A_383, %swap3A_384], %swap3A_387 {strides = array<i32>} : memref<88x96xf32, #tpu.memory_space<vmem>>, vector<1x16xf32>,
      %mul3A_388 = arith.constant 8 : i32
      %mul3A_389 = arith.muli %scan3A_38, %mul3A_388 : i32
      %add3A_390 = arith.constant 6 : i32
      %add3A_391 = arith.addi %mul3A_389, %add3A_390 : i32
      %swap3A_392 = arith.index_cast %add3A_391 : i32 to index
      %swap3A_393 = arith.constant 48 : index
      %swap3A_394 = tpu.vector_load %arg6[%swap3A_392, %swap3A_393] {strides = array<i32>} : memref<88x96xf32, #tpu.memory_space<vmem>>, vector<1x16xf32>,
      %swap3A_395 = vector.shape_cast %swap3A_394 : vector<1x16xf32> to vector<16xf32>
      %swap3A_396 = vector.shape_cast %broadcast_in_dim3A_10 : vector<16xf32> to vector<1x16xf32>
      tpu.vector_store %arg6[%swap3A_392, %swap3A_393], %swap3A_396 {strides = array<i32>} : memref<88x96xf32, #tpu.memory_space<vmem>>, vector<1x16xf32>,
      %mul3A_397 = arith.constant 8 : i32
      %mul3A_398 = arith.muli %scan3A_38, %mul3A_397 : i32
      %add3A_399 = arith.constant 6 : i32
      %add3A_400 = arith.addi %mul3A_398, %add3A_399 : i32
      %swap3A_401 = arith.index_cast %add3A_400 : i32 to index
      %swap3A_402 = arith.constant 64 : index
      %swap3A_403 = tpu.vector_load %arg6[%swap3A_401, %swap3A_402] {strides = array<i32>} : memref<88x96xf32, #tpu.memory_space<vmem>>, vector<1x16xf32>,
      %swap3A_404 = vector.shape_cast %swap3A_403 : vector<1x16xf32> to vector<16xf32>
      %swap3A_405 = vector.shape_cast %broadcast_in_dim3A_10 : vector<16xf32> to vector<1x16xf32>
      tpu.vector_store %arg6[%swap3A_401, %swap3A_402], %swap3A_405 {strides = array<i32>} : memref<88x96xf32, #tpu.memory_space<vmem>>, vector<1x16xf32>,
      %mul3A_406 = arith.constant 8 : i32
      %mul3A_407 = arith.muli %scan3A_38, %mul3A_406 : i32
      %add3A_408 = arith.constant 6 : i32
      %add3A_409 = arith.addi %mul3A_407, %add3A_408 : i32
      %swap3A_410 = arith.index_cast %add3A_409 : i32 to index
      %swap3A_411 = arith.constant 80 : index
      %swap3A_412 = tpu.vector_load %arg6[%swap3A_410, %swap3A_411] {strides = array<i32>} : memref<88x96xf32, #tpu.memory_space<vmem>>, vector<1x16xf32>,
      %swap3A_413 = vector.shape_cast %swap3A_412 : vector<1x16xf32> to vector<16xf32>
      %swap3A_414 = vector.shape_cast %broadcast_in_dim3A_10 : vector<16xf32> to vector<1x16xf32>
      tpu.vector_store %arg6[%swap3A_410, %swap3A_411], %swap3A_414 {strides = array<i32>} : memref<88x96xf32, #tpu.memory_space<vmem>>, vector<1x16xf32>,
      %mul3A_415 = arith.constant 8 : i32
      %mul3A_416 = arith.muli %scan3A_38, %mul3A_415 : i32
      %add3A_417 = arith.constant 7 : i32
      %add3A_418 = arith.addi %mul3A_416, %add3A_417 : i32
      %swap3A_419 = arith.index_cast %add3A_418 : i32 to index
      %swap3A_420 = arith.constant 0 : index
      %swap3A_421 = tpu.vector_load %arg6[%swap3A_419, %swap3A_420] {strides = array<i32>} : memref<88x96xf32, #tpu.memory_space<vmem>>, vector<1x16xf32>,
      %swap3A_422 = vector.shape_cast %swap3A_421 : vector<1x16xf32> to vector<16xf32>
      %swap3A_423 = vector.shape_cast %broadcast_in_dim3A_10 : vector<16xf32> to vector<1x16xf32>
      tpu.vector_store %arg6[%swap3A_419, %swap3A_420], %swap3A_423 {strides = array<i32>} : memref<88x96xf32, #tpu.memory_space<vmem>>, vector<1x16xf32>,
      %mul3A_424 = arith.constant 8 : i32
      %mul3A_425 = arith.muli %scan3A_38, %mul3A_424 : i32
      %add3A_426 = arith.constant 7 : i32
      %add3A_427 = arith.addi %mul3A_425, %add3A_426 : i32
      %swap3A_428 = arith.index_cast %add3A_427 : i32 to index
      %swap3A_429 = arith.constant 16 : index
      %swap3A_430 = tpu.vector_load %arg6[%swap3A_428, %swap3A_429] {strides = array<i32>} : memref<88x96xf32, #tpu.memory_space<vmem>>, vector<1x16xf32>,
      %swap3A_431 = vector.shape_cast %swap3A_430 : vector<1x16xf32> to vector<16xf32>
      %swap3A_432 = vector.shape_cast %broadcast_in_dim3A_10 : vector<16xf32> to vector<1x16xf32>
      tpu.vector_store %arg6[%swap3A_428, %swap3A_429], %swap3A_432 {strides = array<i32>} : memref<88x96xf32, #tpu.memory_space<vmem>>, vector<1x16xf32>,
      %mul3A_433 = arith.constant 8 : i32
      %mul3A_434 = arith.muli %scan3A_38, %mul3A_433 : i32
      %add3A_435 = arith.constant 7 : i32
      %add3A_436 = arith.addi %mul3A_434, %add3A_435 : i32
      %swap3A_437 = arith.index_cast %add3A_436 : i32 to index
      %swap3A_438 = arith.constant 32 : index
      %swap3A_439 = tpu.vector_load %arg6[%swap3A_437, %swap3A_438] {strides = array<i32>} : memref<88x96xf32, #tpu.memory_space<vmem>>, vector<1x16xf32>,
      %swap3A_440 = vector.shape_cast %swap3A_439 : vector<1x16xf32> to vector<16xf32>
      %swap3A_441 = vector.shape_cast %broadcast_in_dim3A_10 : vector<16xf32> to vector<1x16xf32>
      tpu.vector_store %arg6[%swap3A_437, %swap3A_438], %swap3A_441 {strides = array<i32>} : memref<88x96xf32, #tpu.memory_space<vmem>>, vector<1x16xf32>,
      %mul3A_442 = arith.constant 8 : i32
      %mul3A_443 = arith.muli %scan3A_38, %mul3A_442 : i32
      %add3A_444 = arith.constant 7 : i32
      %add3A_445 = arith.addi %mul3A_443, %add3A_444 : i32
      %swap3A_446 = arith.index_cast %add3A_445 : i32 to index
      %swap3A_447 = arith.constant 48 : index
      %swap3A_448 = tpu.vector_load %arg6[%swap3A_446, %swap3A_447] {strides = array<i32>} : memref<88x96xf32, #tpu.memory_space<vmem>>, vector<1x16xf32>,
      %swap3A_449 = vector.shape_cast %swap3A_448 : vector<1x16xf32> to vector<16xf32>
      %swap3A_450 = vector.shape_cast %broadcast_in_dim3A_10 : vector<16xf32> to vector<1x16xf32>
      tpu.vector_store %arg6[%swap3A_446, %swap3A_447], %swap3A_450 {strides = array<i32>} : memref<88x96xf32, #tpu.memory_space<vmem>>, vector<1x16xf32>,
      %mul3A_451 = arith.constant 8 : i32
      %mul3A_452 = arith.muli %scan3A_38, %mul3A_451 : i32
      %add3A_453 = arith.constant 7 : i32
      %add3A_454 = arith.addi %mul3A_452, %add3A_453 : i32
      %swap3A_455 = arith.index_cast %add3A_454 : i32 to index
      %swap3A_456 = arith.constant 64 : index
      %swap3A_457 = tpu.vector_load %arg6[%swap3A_455, %swap3A_456] {strides = array<i32>} : memref<88x96xf32, #tpu.memory_space<vmem>>, vector<1x16xf32>,
      %swap3A_458 = vector.shape_cast %swap3A_457 : vector<1x16xf32> to vector<16xf32>
      %swap3A_459 = vector.shape_cast %broadcast_in_dim3A_10 : vector<16xf32> to vector<1x16xf32>
      tpu.vector_store %arg6[%swap3A_455, %swap3A_456], %swap3A_459 {strides = array<i32>} : memref<88x96xf32, #tpu.memory_space<vmem>>, vector<1x16xf32>,
      %mul3A_460 = arith.constant 8 : i32
      %mul3A_461 = arith.muli %scan3A_38, %mul3A_460 : i32
      %add3A_462 = arith.constant 7 : i32
      %add3A_463 = arith.addi %mul3A_461, %add3A_462 : i32
      %swap3A_464 = arith.index_cast %add3A_463 : i32 to index
      %swap3A_465 = arith.constant 80 : index
      %swap3A_466 = tpu.vector_load %arg6[%swap3A_464, %swap3A_465] {strides = array<i32>} : memref<88x96xf32, #tpu.memory_space<vmem>>, vector<1x16xf32>,
      %swap3A_467 = vector.shape_cast %swap3A_466 : vector<1x16xf32> to vector<16xf32>
      %swap3A_468 = vector.shape_cast %broadcast_in_dim3A_10 : vector<16xf32> to vector<1x16xf32>
      tpu.vector_store %arg6[%swap3A_464, %swap3A_465], %swap3A_468 {strides = array<i32>} : memref<88x96xf32, #tpu.memory_space<vmem>>, vector<1x16xf32>,
    }
    %scan3A_15 = arith.constant 11 : i32
    %dma_wait3A = arith.constant 0 : i32
    %dma_wait3A_16 = tpu.memref_slice %arg2[%dma_wait3A, %mul3A_0] : memref<2x2048xi32, #tpu.memory_space<hbm>> -> memref<1x128xi32, #tpu.memory_space<hbm>>
    %dma_wait3A_17 = tpu.memref_squeeze %dma_wait3A_16 : memref<1x128xi32, #tpu.memory_space<hbm>> -> memref<128xi32, #tpu.memory_space<hbm>>
    %dma_wait3A_18 = tpu.memref_slice %arg2[%dma_wait3A, %mul3A_0] : memref<2x2048xi32, #tpu.memory_space<hbm>> -> memref<1x128xi32, #tpu.memory_space<hbm>>
    %dma_wait3A_19 = tpu.memref_squeeze %dma_wait3A_18 : memref<1x128xi32, #tpu.memory_space<hbm>> -> memref<128xi32, #tpu.memory_space<hbm>>
    tpu.wait_dma2 semaphore(%arg7 : memref<!tpu.dma_semaphore, #tpu.memory_space<semaphore_mem>>) src(%dma_wait3A_19 : memref<128xi32, #tpu.memory_space<hbm>>) dst(%arg4 : memref<128xi32, #tpu.memory_space<vmem>>)
    %dma_wait3A_20 = arith.constant 1 : i32
    %dma_wait3A_21 = tpu.memref_slice %arg2[%dma_wait3A_20, %mul3A_0] : memref<2x2048xi32, #tpu.memory_space<hbm>> -> memref<1x128xi32, #tpu.memory_space<hbm>>
    %dma_wait3A_22 = tpu.memref_squeeze %dma_wait3A_21 : memref<1x128xi32, #tpu.memory_space<hbm>> -> memref<128xi32, #tpu.memory_space<hbm>>
    %dma_wait3A_23 = tpu.memref_slice %arg2[%dma_wait3A_20, %mul3A_0] : memref<2x2048xi32, #tpu.memory_space<hbm>> -> memref<1x128xi32, #tpu.memory_space<hbm>>
    %dma_wait3A_24 = tpu.memref_squeeze %dma_wait3A_23 : memref<1x128xi32, #tpu.memory_space<hbm>> -> memref<128xi32, #tpu.memory_space<hbm>>
    tpu.wait_dma2 semaphore(%arg7 : memref<!tpu.dma_semaphore, #tpu.memory_space<semaphore_mem>>) src(%dma_wait3A_24 : memref<128xi32, #tpu.memory_space<hbm>>) dst(%arg5 : memref<128xi32, #tpu.memory_space<vmem>>)
    %iota3A = tpu.iota {dimensions = array<i32: 0>} : vector<16xi32>
    %eq3A = arith.constant 0 : i32
    %eq3A_25 = vector.broadcast %eq3A : i32 to vector<16xi32>
    %eq3A_26 = arith.cmpi eq, %iota3A, %eq3A_25 : vector<16xi32>
    %jit3A = arith.constant 1.000000e+00 : f32
    %jit3A_27 = arith.constant 0.000000e+00 : f32
    %broadcast_in_dim3A_28 = vector.broadcast %jit3A : f32 to vector<16xf32>
    %broadcast_in_dim3A_29 = vector.broadcast %jit3A_27 : f32 to vector<16xf32>
    %select_n3A = arith.select %eq3A_26, %broadcast_in_dim3A_28, %broadcast_in_dim3A_29 : vector<16xi1>, vector<16xf32>
    %scan3A_30 = arith.constant 0 : i32
    %scan3A_31 = arith.constant 0 : i32
    %scan3A_32 = arith.constant 8 : i32
    %scan3A_33 = arith.addi %scan3A_31, %scan3A_32 : i32
    %scan3A_34 = arith.constant 1 : i32
    scf.for %scan3A_38 = %scan3A_31 to %scan3A_33 step %scan3A_34  : i32 {
      %mul3A_39 = arith.constant 16 : i32
      %mul3A_40 = arith.muli %scan3A_38, %mul3A_39 : i32
      %get3A = arith.index_cast %mul3A_40 : i32 to index
      %get3A_41 = tpu.vector_load %arg4[%get3A] {strides = array<i32>} : memref<128xi32, #tpu.memory_space<vmem>>, vector<16xi32>,
      %get3A_42 = vector.shape_cast %get3A_41 : vector<16xi32> to vector<16xi32>
      %mul3A_43 = arith.constant 16 : i32
      %mul3A_44 = arith.muli %scan3A_38, %mul3A_43 : i32
      %get3A_45 = arith.index_cast %mul3A_44 : i32 to index
      %get3A_46 = tpu.vector_load %arg5[%get3A_45] {strides = array<i32>} : memref<128xi32, #tpu.memory_space<vmem>>, vector<16xi32>,
      %get3A_47 = vector.shape_cast %get3A_46 : vector<16xi32> to vector<16xi32>
      %slice3A = vector.extract_strided_slice %get3A_47 {offsets = [0], sizes = [1], strides = [1]} : vector<16xi32> to vector<1xi32>
      %squeeze3A = vector.extract %slice3A[0] : i32 from vector<1xi32>
      %slice3A_48 = vector.extract_strided_slice %get3A_42 {offsets = [0], sizes = [1], strides = [1]} : vector<16xi32> to vector<1xi32>
      %squeeze3A_49 = vector.extract %slice3A_48[0] : i32 from vector<1xi32>
      %get3A_50 = arith.index_cast %squeeze3A : i32 to index
      %get3A_51 = arith.index_cast %squeeze3A_49 : i32 to index
      %get3A_52 = tpu.vector_load %arg6[%get3A_50, %get3A_51] {strides = array<i32>} : memref<88x96xf32, #tpu.memory_space<vmem>>, vector<1x16xf32>,
      %get3A_53 = vector.shape_cast %get3A_52 : vector<1x16xf32> to vector<16xf32>
      %add3A = arith.addf %get3A_53, %select_n3A : vector<16xf32>
      %swap3A = arith.index_cast %squeeze3A : i32 to index
      %swap3A_54 = arith.index_cast %squeeze3A_49 : i32 to index
      %swap3A_55 = tpu.vector_load %arg6[%swap3A, %swap3A_54] {strides = array<i32>} : memref<88x96xf32, #tpu.memory_space<vmem>>, vector<1x16xf32>,
      %swap3A_56 = vector.shape_cast %swap3A_55 : vector<1x16xf32> to vector<16xf32>
      %swap3A_57 = vector.shape_cast %add3A : vector<16xf32> to vector<1x16xf32>
      tpu.vector_store %arg6[%swap3A, %swap3A_54], %swap3A_57 {strides = array<i32>} : memref<88x96xf32, #tpu.memory_space<vmem>>, vector<1x16xf32>,
      %slice3A_58 = vector.extract_strided_slice %get3A_47 {offsets = [1], sizes = [1], strides = [1]} : vector<16xi32> to vector<1xi32>
      %squeeze3A_59 = vector.extract %slice3A_58[0] : i32 from vector<1xi32>
      %slice3A_60 = vector.extract_strided_slice %get3A_42 {offsets = [1], sizes = [1], strides = [1]} : vector<16xi32> to vector<1xi32>
      %squeeze3A_61 = vector.extract %slice3A_60[0] : i32 from vector<1xi32>
      %get3A_62 = arith.index_cast %squeeze3A_59 : i32 to index
      %get3A_63 = arith.index_cast %squeeze3A_61 : i32 to index
      %get3A_64 = tpu.vector_load %arg6[%get3A_62, %get3A_63] {strides = array<i32>} : memref<88x96xf32, #tpu.memory_space<vmem>>, vector<1x16xf32>,
      %get3A_65 = vector.shape_cast %get3A_64 : vector<1x16xf32> to vector<16xf32>
      %add3A_66 = arith.addf %get3A_65, %select_n3A : vector<16xf32>
      %swap3A_67 = arith.index_cast %squeeze3A_59 : i32 to index
      %swap3A_68 = arith.index_cast %squeeze3A_61 : i32 to index
      %swap3A_69 = tpu.vector_load %arg6[%swap3A_67, %swap3A_68] {strides = array<i32>} : memref<88x96xf32, #tpu.memory_space<vmem>>, vector<1x16xf32>,
      %swap3A_70 = vector.shape_cast %swap3A_69 : vector<1x16xf32> to vector<16xf32>
      %swap3A_71 = vector.shape_cast %add3A_66 : vector<16xf32> to vector<1x16xf32>
      tpu.vector_store %arg6[%swap3A_67, %swap3A_68], %swap3A_71 {strides = array<i32>} : memref<88x96xf32, #tpu.memory_space<vmem>>, vector<1x16xf32>,
      %slice3A_72 = vector.extract_strided_slice %get3A_47 {offsets = [2], sizes = [1], strides = [1]} : vector<16xi32> to vector<1xi32>
      %squeeze3A_73 = vector.extract %slice3A_72[0] : i32 from vector<1xi32>
      %slice3A_74 = vector.extract_strided_slice %get3A_42 {offsets = [2], sizes = [1], strides = [1]} : vector<16xi32> to vector<1xi32>
      %squeeze3A_75 = vector.extract %slice3A_74[0] : i32 from vector<1xi32>
      %get3A_76 = arith.index_cast %squeeze3A_73 : i32 to index
      %get3A_77 = arith.index_cast %squeeze3A_75 : i32 to index
      %get3A_78 = tpu.vector_load %arg6[%get3A_76, %get3A_77] {strides = array<i32>} : memref<88x96xf32, #tpu.memory_space<vmem>>, vector<1x16xf32>,
      %get3A_79 = vector.shape_cast %get3A_78 : vector<1x16xf32> to vector<16xf32>
      %add3A_80 = arith.addf %get3A_79, %select_n3A : vector<16xf32>
      %swap3A_81 = arith.index_cast %squeeze3A_73 : i32 to index
      %swap3A_82 = arith.index_cast %squeeze3A_75 : i32 to index
      %swap3A_83 = tpu.vector_load %arg6[%swap3A_81, %swap3A_82] {strides = array<i32>} : memref<88x96xf32, #tpu.memory_space<vmem>>, vector<1x16xf32>,
      %swap3A_84 = vector.shape_cast %swap3A_83 : vector<1x16xf32> to vector<16xf32>
      %swap3A_85 = vector.shape_cast %add3A_80 : vector<16xf32> to vector<1x16xf32>
      tpu.vector_store %arg6[%swap3A_81, %swap3A_82], %swap3A_85 {strides = array<i32>} : memref<88x96xf32, #tpu.memory_space<vmem>>, vector<1x16xf32>,
      %slice3A_86 = vector.extract_strided_slice %get3A_47 {offsets = [3], sizes = [1], strides = [1]} : vector<16xi32> to vector<1xi32>
      %squeeze3A_87 = vector.extract %slice3A_86[0] : i32 from vector<1xi32>
      %slice3A_88 = vector.extract_strided_slice %get3A_42 {offsets = [3], sizes = [1], strides = [1]} : vector<16xi32> to vector<1xi32>
      %squeeze3A_89 = vector.extract %slice3A_88[0] : i32 from vector<1xi32>
      %get3A_90 = arith.index_cast %squeeze3A_87 : i32 to index
      %get3A_91 = arith.index_cast %squeeze3A_89 : i32 to index
      %get3A_92 = tpu.vector_load %arg6[%get3A_90, %get3A_91] {strides = array<i32>} : memref<88x96xf32, #tpu.memory_space<vmem>>, vector<1x16xf32>,
      %get3A_93 = vector.shape_cast %get3A_92 : vector<1x16xf32> to vector<16xf32>
      %add3A_94 = arith.addf %get3A_93, %select_n3A : vector<16xf32>
      %swap3A_95 = arith.index_cast %squeeze3A_87 : i32 to index
      %swap3A_96 = arith.index_cast %squeeze3A_89 : i32 to index
      %swap3A_97 = tpu.vector_load %arg6[%swap3A_95, %swap3A_96] {strides = array<i32>} : memref<88x96xf32, #tpu.memory_space<vmem>>, vector<1x16xf32>,
      %swap3A_98 = vector.shape_cast %swap3A_97 : vector<1x16xf32> to vector<16xf32>
      %swap3A_99 = vector.shape_cast %add3A_94 : vector<16xf32> to vector<1x16xf32>
      tpu.vector_store %arg6[%swap3A_95, %swap3A_96], %swap3A_99 {strides = array<i32>} : memref<88x96xf32, #tpu.memory_space<vmem>>, vector<1x16xf32>,
      %slice3A_100 = vector.extract_strided_slice %get3A_47 {offsets = [4], sizes = [1], strides = [1]} : vector<16xi32> to vector<1xi32>
      %squeeze3A_101 = vector.extract %slice3A_100[0] : i32 from vector<1xi32>
      %slice3A_102 = vector.extract_strided_slice %get3A_42 {offsets = [4], sizes = [1], strides = [1]} : vector<16xi32> to vector<1xi32>
      %squeeze3A_103 = vector.extract %slice3A_102[0] : i32 from vector<1xi32>
      %get3A_104 = arith.index_cast %squeeze3A_101 : i32 to index
      %get3A_105 = arith.index_cast %squeeze3A_103 : i32 to index
      %get3A_106 = tpu.vector_load %arg6[%get3A_104, %get3A_105] {strides = array<i32>} : memref<88x96xf32, #tpu.memory_space<vmem>>, vector<1x16xf32>,
      %get3A_107 = vector.shape_cast %get3A_106 : vector<1x16xf32> to vector<16xf32>
      %add3A_108 = arith.addf %get3A_107, %select_n3A : vector<16xf32>
      %swap3A_109 = arith.index_cast %squeeze3A_101 : i32 to index
      %swap3A_110 = arith.index_cast %squeeze3A_103 : i32 to index
      %swap3A_111 = tpu.vector_load %arg6[%swap3A_109, %swap3A_110] {strides = array<i32>} : memref<88x96xf32, #tpu.memory_space<vmem>>, vector<1x16xf32>,
      %swap3A_112 = vector.shape_cast %swap3A_111 : vector<1x16xf32> to vector<16xf32>
      %swap3A_113 = vector.shape_cast %add3A_108 : vector<16xf32> to vector<1x16xf32>
      tpu.vector_store %arg6[%swap3A_109, %swap3A_110], %swap3A_113 {strides = array<i32>} : memref<88x96xf32, #tpu.memory_space<vmem>>, vector<1x16xf32>,
      %slice3A_114 = vector.extract_strided_slice %get3A_47 {offsets = [5], sizes = [1], strides = [1]} : vector<16xi32> to vector<1xi32>
      %squeeze3A_115 = vector.extract %slice3A_114[0] : i32 from vector<1xi32>
      %slice3A_116 = vector.extract_strided_slice %get3A_42 {offsets = [5], sizes = [1], strides = [1]} : vector<16xi32> to vector<1xi32>
      %squeeze3A_117 = vector.extract %slice3A_116[0] : i32 from vector<1xi32>
      %get3A_118 = arith.index_cast %squeeze3A_115 : i32 to index
      %get3A_119 = arith.index_cast %squeeze3A_117 : i32 to index
      %get3A_120 = tpu.vector_load %arg6[%get3A_118, %get3A_119] {strides = array<i32>} : memref<88x96xf32, #tpu.memory_space<vmem>>, vector<1x16xf32>,
      %get3A_121 = vector.shape_cast %get3A_120 : vector<1x16xf32> to vector<16xf32>
      %add3A_122 = arith.addf %get3A_121, %select_n3A : vector<16xf32>
      %swap3A_123 = arith.index_cast %squeeze3A_115 : i32 to index
      %swap3A_124 = arith.index_cast %squeeze3A_117 : i32 to index
      %swap3A_125 = tpu.vector_load %arg6[%swap3A_123, %swap3A_124] {strides = array<i32>} : memref<88x96xf32, #tpu.memory_space<vmem>>, vector<1x16xf32>,
      %swap3A_126 = vector.shape_cast %swap3A_125 : vector<1x16xf32> to vector<16xf32>
      %swap3A_127 = vector.shape_cast %add3A_122 : vector<16xf32> to vector<1x16xf32>
      tpu.vector_store %arg6[%swap3A_123, %swap3A_124], %swap3A_127 {strides = array<i32>} : memref<88x96xf32, #tpu.memory_space<vmem>>, vector<1x16xf32>,
      %slice3A_128 = vector.extract_strided_slice %get3A_47 {offsets = [6], sizes = [1], strides = [1]} : vector<16xi32> to vector<1xi32>
      %squeeze3A_129 = vector.extract %slice3A_128[0] : i32 from vector<1xi32>
      %slice3A_130 = vector.extract_strided_slice %get3A_42 {offsets = [6], sizes = [1], strides = [1]} : vector<16xi32> to vector<1xi32>
      %squeeze3A_131 = vector.extract %slice3A_130[0] : i32 from vector<1xi32>
      %get3A_132 = arith.index_cast %squeeze3A_129 : i32 to index
      %get3A_133 = arith.index_cast %squeeze3A_131 : i32 to index
      %get3A_134 = tpu.vector_load %arg6[%get3A_132, %get3A_133] {strides = array<i32>} : memref<88x96xf32, #tpu.memory_space<vmem>>, vector<1x16xf32>,
      %get3A_135 = vector.shape_cast %get3A_134 : vector<1x16xf32> to vector<16xf32>
      %add3A_136 = arith.addf %get3A_135, %select_n3A : vector<16xf32>
      %swap3A_137 = arith.index_cast %squeeze3A_129 : i32 to index
      %swap3A_138 = arith.index_cast %squeeze3A_131 : i32 to index
      %swap3A_139 = tpu.vector_load %arg6[%swap3A_137, %swap3A_138] {strides = array<i32>} : memref<88x96xf32, #tpu.memory_space<vmem>>, vector<1x16xf32>,
      %swap3A_140 = vector.shape_cast %swap3A_139 : vector<1x16xf32> to vector<16xf32>
      %swap3A_141 = vector.shape_cast %add3A_136 : vector<16xf32> to vector<1x16xf32>
      tpu.vector_store %arg6[%swap3A_137, %swap3A_138], %swap3A_141 {strides = array<i32>} : memref<88x96xf32, #tpu.memory_space<vmem>>, vector<1x16xf32>,
      %slice3A_142 = vector.extract_strided_slice %get3A_47 {offsets = [7], sizes = [1], strides = [1]} : vector<16xi32> to vector<1xi32>
      %squeeze3A_143 = vector.extract %slice3A_142[0] : i32 from vector<1xi32>
      %slice3A_144 = vector.extract_strided_slice %get3A_42 {offsets = [7], sizes = [1], strides = [1]} : vector<16xi32> to vector<1xi32>
      %squeeze3A_145 = vector.extract %slice3A_144[0] : i32 from vector<1xi32>
      %get3A_146 = arith.index_cast %squeeze3A_143 : i32 to index
      %get3A_147 = arith.index_cast %squeeze3A_145 : i32 to index
      %get3A_148 = tpu.vector_load %arg6[%get3A_146, %get3A_147] {strides = array<i32>} : memref<88x96xf32, #tpu.memory_space<vmem>>, vector<1x16xf32>,
      %get3A_149 = vector.shape_cast %get3A_148 : vector<1x16xf32> to vector<16xf32>
      %add3A_150 = arith.addf %get3A_149, %select_n3A : vector<16xf32>
      %swap3A_151 = arith.index_cast %squeeze3A_143 : i32 to index
      %swap3A_152 = arith.index_cast %squeeze3A_145 : i32 to index
      %swap3A_153 = tpu.vector_load %arg6[%swap3A_151, %swap3A_152] {strides = array<i32>} : memref<88x96xf32, #tpu.memory_space<vmem>>, vector<1x16xf32>,
      %swap3A_154 = vector.shape_cast %swap3A_153 : vector<1x16xf32> to vector<16xf32>
      %swap3A_155 = vector.shape_cast %add3A_150 : vector<16xf32> to vector<1x16xf32>
      tpu.vector_store %arg6[%swap3A_151, %swap3A_152], %swap3A_155 {strides = array<i32>} : memref<88x96xf32, #tpu.memory_space<vmem>>, vector<1x16xf32>,
      %slice3A_156 = vector.extract_strided_slice %get3A_47 {offsets = [8], sizes = [1], strides = [1]} : vector<16xi32> to vector<1xi32>
      %squeeze3A_157 = vector.extract %slice3A_156[0] : i32 from vector<1xi32>
      %slice3A_158 = vector.extract_strided_slice %get3A_42 {offsets = [8], sizes = [1], strides = [1]} : vector<16xi32> to vector<1xi32>
      %squeeze3A_159 = vector.extract %slice3A_158[0] : i32 from vector<1xi32>
      %get3A_160 = arith.index_cast %squeeze3A_157 : i32 to index
      %get3A_161 = arith.index_cast %squeeze3A_159 : i32 to index
      %get3A_162 = tpu.vector_load %arg6[%get3A_160, %get3A_161] {strides = array<i32>} : memref<88x96xf32, #tpu.memory_space<vmem>>, vector<1x16xf32>,
      %get3A_163 = vector.shape_cast %get3A_162 : vector<1x16xf32> to vector<16xf32>
      %add3A_164 = arith.addf %get3A_163, %select_n3A : vector<16xf32>
      %swap3A_165 = arith.index_cast %squeeze3A_157 : i32 to index
      %swap3A_166 = arith.index_cast %squeeze3A_159 : i32 to index
      %swap3A_167 = tpu.vector_load %arg6[%swap3A_165, %swap3A_166] {strides = array<i32>} : memref<88x96xf32, #tpu.memory_space<vmem>>, vector<1x16xf32>,
      %swap3A_168 = vector.shape_cast %swap3A_167 : vector<1x16xf32> to vector<16xf32>
      %swap3A_169 = vector.shape_cast %add3A_164 : vector<16xf32> to vector<1x16xf32>
      tpu.vector_store %arg6[%swap3A_165, %swap3A_166], %swap3A_169 {strides = array<i32>} : memref<88x96xf32, #tpu.memory_space<vmem>>, vector<1x16xf32>,
      %slice3A_170 = vector.extract_strided_slice %get3A_47 {offsets = [9], sizes = [1], strides = [1]} : vector<16xi32> to vector<1xi32>
      %squeeze3A_171 = vector.extract %slice3A_170[0] : i32 from vector<1xi32>
      %slice3A_172 = vector.extract_strided_slice %get3A_42 {offsets = [9], sizes = [1], strides = [1]} : vector<16xi32> to vector<1xi32>
      %squeeze3A_173 = vector.extract %slice3A_172[0] : i32 from vector<1xi32>
      %get3A_174 = arith.index_cast %squeeze3A_171 : i32 to index
      %get3A_175 = arith.index_cast %squeeze3A_173 : i32 to index
      %get3A_176 = tpu.vector_load %arg6[%get3A_174, %get3A_175] {strides = array<i32>} : memref<88x96xf32, #tpu.memory_space<vmem>>, vector<1x16xf32>,
      %get3A_177 = vector.shape_cast %get3A_176 : vector<1x16xf32> to vector<16xf32>
      %add3A_178 = arith.addf %get3A_177, %select_n3A : vector<16xf32>
      %swap3A_179 = arith.index_cast %squeeze3A_171 : i32 to index
      %swap3A_180 = arith.index_cast %squeeze3A_173 : i32 to index
      %swap3A_181 = tpu.vector_load %arg6[%swap3A_179, %swap3A_180] {strides = array<i32>} : memref<88x96xf32, #tpu.memory_space<vmem>>, vector<1x16xf32>,
      %swap3A_182 = vector.shape_cast %swap3A_181 : vector<1x16xf32> to vector<16xf32>
      %swap3A_183 = vector.shape_cast %add3A_178 : vector<16xf32> to vector<1x16xf32>
      tpu.vector_store %arg6[%swap3A_179, %swap3A_180], %swap3A_183 {strides = array<i32>} : memref<88x96xf32, #tpu.memory_space<vmem>>, vector<1x16xf32>,
      %slice3A_184 = vector.extract_strided_slice %get3A_47 {offsets = [10], sizes = [1], strides = [1]} : vector<16xi32> to vector<1xi32>
      %squeeze3A_185 = vector.extract %slice3A_184[0] : i32 from vector<1xi32>
      %slice3A_186 = vector.extract_strided_slice %get3A_42 {offsets = [10], sizes = [1], strides = [1]} : vector<16xi32> to vector<1xi32>
      %squeeze3A_187 = vector.extract %slice3A_186[0] : i32 from vector<1xi32>
      %get3A_188 = arith.index_cast %squeeze3A_185 : i32 to index
      %get3A_189 = arith.index_cast %squeeze3A_187 : i32 to index
      %get3A_190 = tpu.vector_load %arg6[%get3A_188, %get3A_189] {strides = array<i32>} : memref<88x96xf32, #tpu.memory_space<vmem>>, vector<1x16xf32>,
      %get3A_191 = vector.shape_cast %get3A_190 : vector<1x16xf32> to vector<16xf32>
      %add3A_192 = arith.addf %get3A_191, %select_n3A : vector<16xf32>
      %swap3A_193 = arith.index_cast %squeeze3A_185 : i32 to index
      %swap3A_194 = arith.index_cast %squeeze3A_187 : i32 to index
      %swap3A_195 = tpu.vector_load %arg6[%swap3A_193, %swap3A_194] {strides = array<i32>} : memref<88x96xf32, #tpu.memory_space<vmem>>, vector<1x16xf32>,
      %swap3A_196 = vector.shape_cast %swap3A_195 : vector<1x16xf32> to vector<16xf32>
      %swap3A_197 = vector.shape_cast %add3A_192 : vector<16xf32> to vector<1x16xf32>
      tpu.vector_store %arg6[%swap3A_193, %swap3A_194], %swap3A_197 {strides = array<i32>} : memref<88x96xf32, #tpu.memory_space<vmem>>, vector<1x16xf32>,
      %slice3A_198 = vector.extract_strided_slice %get3A_47 {offsets = [11], sizes = [1], strides = [1]} : vector<16xi32> to vector<1xi32>
      %squeeze3A_199 = vector.extract %slice3A_198[0] : i32 from vector<1xi32>
      %slice3A_200 = vector.extract_strided_slice %get3A_42 {offsets = [11], sizes = [1], strides = [1]} : vector<16xi32> to vector<1xi32>
      %squeeze3A_201 = vector.extract %slice3A_200[0] : i32 from vector<1xi32>
      %get3A_202 = arith.index_cast %squeeze3A_199 : i32 to index
      %get3A_203 = arith.index_cast %squeeze3A_201 : i32 to index
      %get3A_204 = tpu.vector_load %arg6[%get3A_202, %get3A_203] {strides = array<i32>} : memref<88x96xf32, #tpu.memory_space<vmem>>, vector<1x16xf32>,
      %get3A_205 = vector.shape_cast %get3A_204 : vector<1x16xf32> to vector<16xf32>
      %add3A_206 = arith.addf %get3A_205, %select_n3A : vector<16xf32>
      %swap3A_207 = arith.index_cast %squeeze3A_199 : i32 to index
      %swap3A_208 = arith.index_cast %squeeze3A_201 : i32 to index
      %swap3A_209 = tpu.vector_load %arg6[%swap3A_207, %swap3A_208] {strides = array<i32>} : memref<88x96xf32, #tpu.memory_space<vmem>>, vector<1x16xf32>,
      %swap3A_210 = vector.shape_cast %swap3A_209 : vector<1x16xf32> to vector<16xf32>
      %swap3A_211 = vector.shape_cast %add3A_206 : vector<16xf32> to vector<1x16xf32>
      tpu.vector_store %arg6[%swap3A_207, %swap3A_208], %swap3A_211 {strides = array<i32>} : memref<88x96xf32, #tpu.memory_space<vmem>>, vector<1x16xf32>,
      %slice3A_212 = vector.extract_strided_slice %get3A_47 {offsets = [12], sizes = [1], strides = [1]} : vector<16xi32> to vector<1xi32>
      %squeeze3A_213 = vector.extract %slice3A_212[0] : i32 from vector<1xi32>
      %slice3A_214 = vector.extract_strided_slice %get3A_42 {offsets = [12], sizes = [1], strides = [1]} : vector<16xi32> to vector<1xi32>
      %squeeze3A_215 = vector.extract %slice3A_214[0] : i32 from vector<1xi32>
      %get3A_216 = arith.index_cast %squeeze3A_213 : i32 to index
      %get3A_217 = arith.index_cast %squeeze3A_215 : i32 to index
      %get3A_218 = tpu.vector_load %arg6[%get3A_216, %get3A_217] {strides = array<i32>} : memref<88x96xf32, #tpu.memory_space<vmem>>, vector<1x16xf32>,
      %get3A_219 = vector.shape_cast %get3A_218 : vector<1x16xf32> to vector<16xf32>
      %add3A_220 = arith.addf %get3A_219, %select_n3A : vector<16xf32>
      %swap3A_221 = arith.index_cast %squeeze3A_213 : i32 to index
      %swap3A_222 = arith.index_cast %squeeze3A_215 : i32 to index
      %swap3A_223 = tpu.vector_load %arg6[%swap3A_221, %swap3A_222] {strides = array<i32>} : memref<88x96xf32, #tpu.memory_space<vmem>>, vector<1x16xf32>,
      %swap3A_224 = vector.shape_cast %swap3A_223 : vector<1x16xf32> to vector<16xf32>
      %swap3A_225 = vector.shape_cast %add3A_220 : vector<16xf32> to vector<1x16xf32>
      tpu.vector_store %arg6[%swap3A_221, %swap3A_222], %swap3A_225 {strides = array<i32>} : memref<88x96xf32, #tpu.memory_space<vmem>>, vector<1x16xf32>,
      %slice3A_226 = vector.extract_strided_slice %get3A_47 {offsets = [13], sizes = [1], strides = [1]} : vector<16xi32> to vector<1xi32>
      %squeeze3A_227 = vector.extract %slice3A_226[0] : i32 from vector<1xi32>
      %slice3A_228 = vector.extract_strided_slice %get3A_42 {offsets = [13], sizes = [1], strides = [1]} : vector<16xi32> to vector<1xi32>
      %squeeze3A_229 = vector.extract %slice3A_228[0] : i32 from vector<1xi32>
      %get3A_230 = arith.index_cast %squeeze3A_227 : i32 to index
      %get3A_231 = arith.index_cast %squeeze3A_229 : i32 to index
      %get3A_232 = tpu.vector_load %arg6[%get3A_230, %get3A_231] {strides = array<i32>} : memref<88x96xf32, #tpu.memory_space<vmem>>, vector<1x16xf32>,
      %get3A_233 = vector.shape_cast %get3A_232 : vector<1x16xf32> to vector<16xf32>
      %add3A_234 = arith.addf %get3A_233, %select_n3A : vector<16xf32>
      %swap3A_235 = arith.index_cast %squeeze3A_227 : i32 to index
      %swap3A_236 = arith.index_cast %squeeze3A_229 : i32 to index
      %swap3A_237 = tpu.vector_load %arg6[%swap3A_235, %swap3A_236] {strides = array<i32>} : memref<88x96xf32, #tpu.memory_space<vmem>>, vector<1x16xf32>,
      %swap3A_238 = vector.shape_cast %swap3A_237 : vector<1x16xf32> to vector<16xf32>
      %swap3A_239 = vector.shape_cast %add3A_234 : vector<16xf32> to vector<1x16xf32>
      tpu.vector_store %arg6[%swap3A_235, %swap3A_236], %swap3A_239 {strides = array<i32>} : memref<88x96xf32, #tpu.memory_space<vmem>>, vector<1x16xf32>,
      %slice3A_240 = vector.extract_strided_slice %get3A_47 {offsets = [14], sizes = [1], strides = [1]} : vector<16xi32> to vector<1xi32>
      %squeeze3A_241 = vector.extract %slice3A_240[0] : i32 from vector<1xi32>
      %slice3A_242 = vector.extract_strided_slice %get3A_42 {offsets = [14], sizes = [1], strides = [1]} : vector<16xi32> to vector<1xi32>
      %squeeze3A_243 = vector.extract %slice3A_242[0] : i32 from vector<1xi32>
      %get3A_244 = arith.index_cast %squeeze3A_241 : i32 to index
      %get3A_245 = arith.index_cast %squeeze3A_243 : i32 to index
      %get3A_246 = tpu.vector_load %arg6[%get3A_244, %get3A_245] {strides = array<i32>} : memref<88x96xf32, #tpu.memory_space<vmem>>, vector<1x16xf32>,
      %get3A_247 = vector.shape_cast %get3A_246 : vector<1x16xf32> to vector<16xf32>
      %add3A_248 = arith.addf %get3A_247, %select_n3A : vector<16xf32>
      %swap3A_249 = arith.index_cast %squeeze3A_241 : i32 to index
      %swap3A_250 = arith.index_cast %squeeze3A_243 : i32 to index
      %swap3A_251 = tpu.vector_load %arg6[%swap3A_249, %swap3A_250] {strides = array<i32>} : memref<88x96xf32, #tpu.memory_space<vmem>>, vector<1x16xf32>,
      %swap3A_252 = vector.shape_cast %swap3A_251 : vector<1x16xf32> to vector<16xf32>
      %swap3A_253 = vector.shape_cast %add3A_248 : vector<16xf32> to vector<1x16xf32>
      tpu.vector_store %arg6[%swap3A_249, %swap3A_250], %swap3A_253 {strides = array<i32>} : memref<88x96xf32, #tpu.memory_space<vmem>>, vector<1x16xf32>,
      %slice3A_254 = vector.extract_strided_slice %get3A_47 {offsets = [15], sizes = [1], strides = [1]} : vector<16xi32> to vector<1xi32>
      %squeeze3A_255 = vector.extract %slice3A_254[0] : i32 from vector<1xi32>
      %slice3A_256 = vector.extract_strided_slice %get3A_42 {offsets = [15], sizes = [1], strides = [1]} : vector<16xi32> to vector<1xi32>
      %squeeze3A_257 = vector.extract %slice3A_256[0] : i32 from vector<1xi32>
      %get3A_258 = arith.index_cast %squeeze3A_255 : i32 to index
      %get3A_259 = arith.index_cast %squeeze3A_257 : i32 to index
      %get3A_260 = tpu.vector_load %arg6[%get3A_258, %get3A_259] {strides = array<i32>} : memref<88x96xf32, #tpu.memory_space<vmem>>, vector<1x16xf32>,
      %get3A_261 = vector.shape_cast %get3A_260 : vector<1x16xf32> to vector<16xf32>
      %add3A_262 = arith.addf %get3A_261, %select_n3A : vector<16xf32>
      %swap3A_263 = arith.index_cast %squeeze3A_255 : i32 to index
      %swap3A_264 = arith.index_cast %squeeze3A_257 : i32 to index
      %swap3A_265 = tpu.vector_load %arg6[%swap3A_263, %swap3A_264] {strides = array<i32>} : memref<88x96xf32, #tpu.memory_space<vmem>>, vector<1x16xf32>,
      %swap3A_266 = vector.shape_cast %swap3A_265 : vector<1x16xf32> to vector<16xf32>
      %swap3A_267 = vector.shape_cast %add3A_262 : vector<16xf32> to vector<1x16xf32>
      tpu.vector_store %arg6[%swap3A_263, %swap3A_264], %swap3A_267 {strides = array<i32>} : memref<88x96xf32, #tpu.memory_space<vmem>>, vector<1x16xf32>,
    }
    %scan3A_35 = arith.constant 8 : i32
    %mul3A_36 = arith.constant 88 : i32
    %mul3A_37 = arith.muli %arg1, %mul3A_36 : i32
    "tpu.region"() ({
      %run_scoped3A = tpu.sem_alloc : memref<!tpu.dma_semaphore, #tpu.memory_space<semaphore_mem>>
      %dma_start3A_38 = arith.constant 0 : i32
      %dma_start3A_39 = tpu.memref_slice %arg3[%mul3A_37, %dma_start3A_38] : memref<1408x96xf32, #tpu.memory_space<hbm>> -> memref<88x96xf32, #tpu.memory_space<hbm>>
      %dma_start3A_40 = arith.constant 0 : i32
      %dma_start3A_41 = tpu.memref_slice %arg3[%mul3A_37, %dma_start3A_40] : memref<1408x96xf32, #tpu.memory_space<hbm>> -> memref<88x96xf32, #tpu.memory_space<hbm>>
      tpu.enqueue_dma source(%arg6 : memref<88x96xf32, #tpu.memory_space<vmem>>) target(%dma_start3A_41 : memref<88x96xf32, #tpu.memory_space<hbm>>) target_semaphore(%run_scoped3A : memref<!tpu.dma_semaphore, #tpu.memory_space<semaphore_mem>>)
      %dma_wait3A_42 = arith.constant 0 : i32
      %dma_wait3A_43 = tpu.memref_slice %arg3[%mul3A_37, %dma_wait3A_42] : memref<1408x96xf32, #tpu.memory_space<hbm>> -> memref<88x96xf32, #tpu.memory_space<hbm>>
      %dma_wait3A_44 = arith.constant 0 : i32
      %dma_wait3A_45 = tpu.memref_slice %arg3[%mul3A_37, %dma_wait3A_44] : memref<1408x96xf32, #tpu.memory_space<hbm>> -> memref<88x96xf32, #tpu.memory_space<hbm>>
      tpu.wait_dma2 semaphore(%run_scoped3A : memref<!tpu.dma_semaphore, #tpu.memory_space<semaphore_mem>>) src(%arg6 : memref<88x96xf32, #tpu.memory_space<vmem>>) dst(%dma_wait3A_45 : memref<88x96xf32, #tpu.memory_space<hbm>>)
      tpu.yield
    }) : () -> ()
    return
  }
}

module attributes {stable_mosaic.version = 14 : i64} {
  func.func @_dense_body(%arg0: memref<1408x96xf32, #tpu.memory_space<vmem>>, %arg1: memref<81x10xf32, #tpu.memory_space<vmem>>, %arg2: memref<10x256xf32, #tpu.memory_space<vmem>>, %arg3: memref<256xf32, #tpu.memory_space<vmem>>, %arg4: memref<256xf32, #tpu.memory_space<vmem>>, %arg5: memref<256xf32, #tpu.memory_space<vmem>>, %arg6: memref<256x256xf32, #tpu.memory_space<vmem>>, %arg7: memref<256xf32, #tpu.memory_space<vmem>>, %arg8: memref<256x81xf32, #tpu.memory_space<vmem>>, %arg9: memref<81xf32, #tpu.memory_space<vmem>>, %arg10: memref<1x81xf32, #tpu.memory_space<vmem>>) attributes {dimension_semantics = [], scalar_prefetch = 0 : i64, scratch_operands = 0 : i64, tpu.core_type = #tpu.core_type<tc>} {
    %get3A = arith.constant 0 : index
    %get3A_0 = arith.constant 0 : index
    %get3A_1 = vector.load %arg0[%get3A, %get3A_0] : memref<1408x96xf32, #tpu.memory_space<vmem>>, vector<88x96xf32>
    %get3A_2 = arith.constant 88 : index
    %get3A_3 = arith.constant 0 : index
    %get3A_4 = vector.load %arg0[%get3A_2, %get3A_3] : memref<1408x96xf32, #tpu.memory_space<vmem>>, vector<88x96xf32>
    %add3A = arith.addf %get3A_1, %get3A_4 : vector<88x96xf32>
    %get3A_5 = arith.constant 176 : index
    %get3A_6 = arith.constant 0 : index
    %get3A_7 = vector.load %arg0[%get3A_5, %get3A_6] : memref<1408x96xf32, #tpu.memory_space<vmem>>, vector<88x96xf32>
    %add3A_8 = arith.addf %add3A, %get3A_7 : vector<88x96xf32>
    %get3A_9 = arith.constant 264 : index
    %get3A_10 = arith.constant 0 : index
    %get3A_11 = vector.load %arg0[%get3A_9, %get3A_10] : memref<1408x96xf32, #tpu.memory_space<vmem>>, vector<88x96xf32>
    %add3A_12 = arith.addf %add3A_8, %get3A_11 : vector<88x96xf32>
    %get3A_13 = arith.constant 352 : index
    %get3A_14 = arith.constant 0 : index
    %get3A_15 = vector.load %arg0[%get3A_13, %get3A_14] : memref<1408x96xf32, #tpu.memory_space<vmem>>, vector<88x96xf32>
    %add3A_16 = arith.addf %add3A_12, %get3A_15 : vector<88x96xf32>
    %get3A_17 = arith.constant 440 : index
    %get3A_18 = arith.constant 0 : index
    %get3A_19 = vector.load %arg0[%get3A_17, %get3A_18] : memref<1408x96xf32, #tpu.memory_space<vmem>>, vector<88x96xf32>
    %add3A_20 = arith.addf %add3A_16, %get3A_19 : vector<88x96xf32>
    %get3A_21 = arith.constant 528 : index
    %get3A_22 = arith.constant 0 : index
    %get3A_23 = vector.load %arg0[%get3A_21, %get3A_22] : memref<1408x96xf32, #tpu.memory_space<vmem>>, vector<88x96xf32>
    %add3A_24 = arith.addf %add3A_20, %get3A_23 : vector<88x96xf32>
    %get3A_25 = arith.constant 616 : index
    %get3A_26 = arith.constant 0 : index
    %get3A_27 = vector.load %arg0[%get3A_25, %get3A_26] : memref<1408x96xf32, #tpu.memory_space<vmem>>, vector<88x96xf32>
    %add3A_28 = arith.addf %add3A_24, %get3A_27 : vector<88x96xf32>
    %get3A_29 = arith.constant 704 : index
    %get3A_30 = arith.constant 0 : index
    %get3A_31 = vector.load %arg0[%get3A_29, %get3A_30] : memref<1408x96xf32, #tpu.memory_space<vmem>>, vector<88x96xf32>
    %add3A_32 = arith.addf %add3A_28, %get3A_31 : vector<88x96xf32>
    %get3A_33 = arith.constant 792 : index
    %get3A_34 = arith.constant 0 : index
    %get3A_35 = vector.load %arg0[%get3A_33, %get3A_34] : memref<1408x96xf32, #tpu.memory_space<vmem>>, vector<88x96xf32>
    %add3A_36 = arith.addf %add3A_32, %get3A_35 : vector<88x96xf32>
    %get3A_37 = arith.constant 880 : index
    %get3A_38 = arith.constant 0 : index
    %get3A_39 = vector.load %arg0[%get3A_37, %get3A_38] : memref<1408x96xf32, #tpu.memory_space<vmem>>, vector<88x96xf32>
    %add3A_40 = arith.addf %add3A_36, %get3A_39 : vector<88x96xf32>
    %get3A_41 = arith.constant 968 : index
    %get3A_42 = arith.constant 0 : index
    %get3A_43 = vector.load %arg0[%get3A_41, %get3A_42] : memref<1408x96xf32, #tpu.memory_space<vmem>>, vector<88x96xf32>
    %add3A_44 = arith.addf %add3A_40, %get3A_43 : vector<88x96xf32>
    %get3A_45 = arith.constant 1056 : index
    %get3A_46 = arith.constant 0 : index
    %get3A_47 = vector.load %arg0[%get3A_45, %get3A_46] : memref<1408x96xf32, #tpu.memory_space<vmem>>, vector<88x96xf32>
    %add3A_48 = arith.addf %add3A_44, %get3A_47 : vector<88x96xf32>
    %get3A_49 = arith.constant 1144 : index
    %get3A_50 = arith.constant 0 : index
    %get3A_51 = vector.load %arg0[%get3A_49, %get3A_50] : memref<1408x96xf32, #tpu.memory_space<vmem>>, vector<88x96xf32>
    %add3A_52 = arith.addf %add3A_48, %get3A_51 : vector<88x96xf32>
    %get3A_53 = arith.constant 1232 : index
    %get3A_54 = arith.constant 0 : index
    %get3A_55 = vector.load %arg0[%get3A_53, %get3A_54] : memref<1408x96xf32, #tpu.memory_space<vmem>>, vector<88x96xf32>
    %add3A_56 = arith.addf %add3A_52, %get3A_55 : vector<88x96xf32>
    %get3A_57 = arith.constant 1320 : index
    %get3A_58 = arith.constant 0 : index
    %get3A_59 = vector.load %arg0[%get3A_57, %get3A_58] : memref<1408x96xf32, #tpu.memory_space<vmem>>, vector<88x96xf32>
    %add3A_60 = arith.addf %add3A_56, %get3A_59 : vector<88x96xf32>
    %reduce_sum3A = arith.constant dense<0.000000e+00> : vector<88xf32>
    %reduce_sum3A_61 = vector.multi_reduction <add>, %add3A_60, %reduce_sum3A [1] : vector<88x96xf32> to vector<88xf32>
    %broadcast_in_dim3A = vector.shape_cast %reduce_sum3A_61 : vector<88xf32> to vector<88x1xf32>
    %add3A_62 = arith.constant 1.000000e+00 : f32
    %add3A_63 = vector.broadcast %add3A_62 : f32 to vector<88x1xf32>
    %add3A_64 = arith.addf %broadcast_in_dim3A, %add3A_63 : vector<88x1xf32>
    %rsqrt3A = math.rsqrt %add3A_64 : vector<88x1xf32>
    %get3A_65 = arith.constant 0 : index
    %get3A_66 = arith.constant 0 : index
    %get3A_67 = vector.load %arg1[%get3A_65, %get3A_66] : memref<81x10xf32, #tpu.memory_space<vmem>>, vector<81x10xf32>
    %broadcast_in_dim3A_68 = arith.constant 0.000000e+00 : f32
    %broadcast_in_dim3A_69 = vector.broadcast %broadcast_in_dim3A_68 : f32 to vector<7x10xf32>
    %concatenate3A = tpu.concatenate %get3A_67, %broadcast_in_dim3A_69 in 0 : vector<81x10xf32>, vector<7x10xf32> -> vector<88x10xf32>
    %mul3A = vector.broadcast %rsqrt3A : vector<88x1xf32> to vector<88x10xf32>
    %mul3A_70 = arith.mulf %mul3A, %concatenate3A : vector<88x10xf32>
    %broadcast_in_dim3A_71 = arith.constant 0.000000e+00 : f32
    %broadcast_in_dim3A_72 = vector.broadcast %broadcast_in_dim3A_71 : f32 to vector<8x10xf32>
    %concatenate3A_73 = tpu.concatenate %mul3A_70, %broadcast_in_dim3A_72 in 0 : vector<88x10xf32>, vector<8x10xf32> -> vector<96x10xf32>
    %dot_general3A = arith.constant dense<0.000000e+00> : vector<88x10xf32>
    %dot_general3A_74 = tpu.matmul %add3A_60, %concatenate3A_73, %dot_general3A {dimension_numbers = #tpu.dot_dimension_numbers<[1], [0], [0], [1], [0, 0, 1, 1], [], []>, precision = #tpu.contract_precision<fp32>, transpose_lhs_hint = false} : vector<88x96xf32>, vector<96x10xf32>, vector<88x10xf32> -> vector<88x10xf32>
    %add3A_75 = arith.addf %dot_general3A_74, %mul3A_70 : vector<88x10xf32>
    %mul3A_76 = vector.broadcast %rsqrt3A : vector<88x1xf32> to vector<88x10xf32>
    %mul3A_77 = arith.mulf %mul3A_76, %add3A_75 : vector<88x10xf32>
    %get3A_78 = arith.constant 0 : index
    %get3A_79 = arith.constant 0 : index
    %get3A_80 = vector.load %arg2[%get3A_78, %get3A_79] : memref<10x256xf32, #tpu.memory_space<vmem>>, vector<10x256xf32>
    %dot_general3A_81 = arith.constant dense<0.000000e+00> : vector<88x256xf32>
    %dot_general3A_82 = tpu.matmul %mul3A_77, %get3A_80, %dot_general3A_81 {dimension_numbers = #tpu.dot_dimension_numbers<[1], [0], [0], [1], [0, 0, 1, 1], [], []>, precision = #tpu.contract_precision<fp32>, transpose_lhs_hint = false} : vector<88x10xf32>, vector<10x256xf32>, vector<88x256xf32> -> vector<88x256xf32>
    %get3A_83 = arith.constant 0 : index
    %get3A_84 = vector.load %arg3[%get3A_83] : memref<256xf32, #tpu.memory_space<vmem>>, vector<256xf32>
    %broadcast_in_dim3A_85 = vector.shape_cast %get3A_84 : vector<256xf32> to vector<1x256xf32>
    %add3A_86 = vector.broadcast %broadcast_in_dim3A_85 : vector<1x256xf32> to vector<88x256xf32>
    %add3A_87 = arith.addf %dot_general3A_82, %add3A_86 : vector<88x256xf32>
    %max3A = arith.constant 0.000000e+00 : f32
    %max3A_88 = vector.broadcast %max3A : f32 to vector<88x256xf32>
    %max3A_89 = arith.maximumf %add3A_87, %max3A_88 : vector<88x256xf32>
    %reduce_sum3A_90 = arith.constant dense<0.000000e+00> : vector<88xf32>
    %reduce_sum3A_91 = vector.multi_reduction <add>, %max3A_89, %reduce_sum3A_90 [1] : vector<88x256xf32> to vector<88xf32>
    %broadcast_in_dim3A_92 = vector.shape_cast %reduce_sum3A_91 : vector<88xf32> to vector<88x1xf32>
    %div3A = arith.constant 2.560000e+02 : f32
    %div3A_93 = vector.broadcast %div3A : f32 to vector<88x1xf32>
    %div3A_94 = arith.divf %broadcast_in_dim3A_92, %div3A_93 : vector<88x1xf32>
    %sub3A = vector.broadcast %div3A_94 : vector<88x1xf32> to vector<88x256xf32>
    %sub3A_95 = arith.subf %max3A_89, %sub3A : vector<88x256xf32>
    %mul3A_96 = arith.mulf %sub3A_95, %sub3A_95 : vector<88x256xf32>
    %reduce_sum3A_97 = arith.constant dense<0.000000e+00> : vector<88xf32>
    %reduce_sum3A_98 = vector.multi_reduction <add>, %mul3A_96, %reduce_sum3A_97 [1] : vector<88x256xf32> to vector<88xf32>
    %broadcast_in_dim3A_99 = vector.shape_cast %reduce_sum3A_98 : vector<88xf32> to vector<88x1xf32>
    %div3A_100 = arith.constant 2.560000e+02 : f32
    %div3A_101 = vector.broadcast %div3A_100 : f32 to vector<88x1xf32>
    %div3A_102 = arith.divf %broadcast_in_dim3A_99, %div3A_101 : vector<88x1xf32>
    %add3A_103 = arith.constant 9.99999974E-6 : f32
    %add3A_104 = vector.broadcast %add3A_103 : f32 to vector<88x1xf32>
    %add3A_105 = arith.addf %div3A_102, %add3A_104 : vector<88x1xf32>
    %rsqrt3A_106 = math.rsqrt %add3A_105 : vector<88x1xf32>
    %mul3A_107 = vector.broadcast %rsqrt3A_106 : vector<88x1xf32> to vector<88x256xf32>
    %mul3A_108 = arith.mulf %sub3A_95, %mul3A_107 : vector<88x256xf32>
    %get3A_109 = arith.constant 0 : index
    %get3A_110 = vector.load %arg4[%get3A_109] : memref<256xf32, #tpu.memory_space<vmem>>, vector<256xf32>
    %broadcast_in_dim3A_111 = vector.shape_cast %get3A_110 : vector<256xf32> to vector<1x256xf32>
    %mul3A_112 = vector.broadcast %broadcast_in_dim3A_111 : vector<1x256xf32> to vector<88x256xf32>
    %mul3A_113 = arith.mulf %mul3A_108, %mul3A_112 : vector<88x256xf32>
    %get3A_114 = arith.constant 0 : index
    %get3A_115 = vector.load %arg5[%get3A_114] : memref<256xf32, #tpu.memory_space<vmem>>, vector<256xf32>
    %broadcast_in_dim3A_116 = vector.shape_cast %get3A_115 : vector<256xf32> to vector<1x256xf32>
    %add3A_117 = vector.broadcast %broadcast_in_dim3A_116 : vector<1x256xf32> to vector<88x256xf32>
    %add3A_118 = arith.addf %mul3A_113, %add3A_117 : vector<88x256xf32>
    %iota3A = tpu.iota {dimensions = array<i32: 0>} : vector<88x1xi32>
    %lt3A = arith.constant 81 : i32
    %lt3A_119 = vector.broadcast %lt3A : i32 to vector<88x1xi32>
    %lt3A_120 = arith.cmpi slt, %iota3A, %lt3A_119 : vector<88x1xi32>
    %jit3A = arith.constant 0.000000e+00 : f32
    %broadcast_in_dim3A_121 = vector.shape_cast %lt3A_120 : vector<88x1xi1> to vector<88x1xi1>
    %broadcast_in_dim3A_122 = vector.broadcast %broadcast_in_dim3A_121 : vector<88x1xi1> to vector<88x256xi1>
    %broadcast_in_dim3A_123 = vector.broadcast %jit3A : f32 to vector<88x256xf32>
    %select_n3A = arith.select %broadcast_in_dim3A_122, %add3A_118, %broadcast_in_dim3A_123 : vector<88x256xi1>, vector<88x256xf32>
    %reduce_sum3A_124 = arith.constant dense<0.000000e+00> : vector<256xf32>
    %reduce_sum3A_125 = vector.multi_reduction <add>, %select_n3A, %reduce_sum3A_124 [0] : vector<88x256xf32> to vector<256xf32>
    %broadcast_in_dim3A_126 = vector.shape_cast %reduce_sum3A_125 : vector<256xf32> to vector<1x256xf32>
    %get3A_127 = arith.constant 0 : index
    %get3A_128 = arith.constant 0 : index
    %get3A_129 = vector.load %arg6[%get3A_127, %get3A_128] : memref<256x256xf32, #tpu.memory_space<vmem>>, vector<256x256xf32>
    %dot_general3A_130 = arith.constant dense<0.000000e+00> : vector<1x256xf32>
    %dot_general3A_131 = tpu.matmul %broadcast_in_dim3A_126, %get3A_129, %dot_general3A_130 {dimension_numbers = #tpu.dot_dimension_numbers<[1], [0], [0], [1], [0, 0, 1, 1], [], []>, precision = #tpu.contract_precision<fp32>, transpose_lhs_hint = false} : vector<1x256xf32>, vector<256x256xf32>, vector<1x256xf32> -> vector<1x256xf32>
    %get3A_132 = arith.constant 0 : index
    %get3A_133 = vector.load %arg7[%get3A_132] : memref<256xf32, #tpu.memory_space<vmem>>, vector<256xf32>
    %broadcast_in_dim3A_134 = vector.shape_cast %get3A_133 : vector<256xf32> to vector<1x256xf32>
    %add3A_135 = arith.addf %dot_general3A_131, %broadcast_in_dim3A_134 : vector<1x256xf32>
    %max3A_136 = arith.constant 0.000000e+00 : f32
    %max3A_137 = vector.broadcast %max3A_136 : f32 to vector<1x256xf32>
    %max3A_138 = arith.maximumf %add3A_135, %max3A_137 : vector<1x256xf32>
    %get3A_139 = arith.constant 0 : index
    %get3A_140 = arith.constant 0 : index
    %get3A_141 = vector.load %arg8[%get3A_139, %get3A_140] : memref<256x81xf32, #tpu.memory_space<vmem>>, vector<256x81xf32>
    %dot_general3A_142 = arith.constant dense<0.000000e+00> : vector<1x81xf32>
    %dot_general3A_143 = tpu.matmul %max3A_138, %get3A_141, %dot_general3A_142 {dimension_numbers = #tpu.dot_dimension_numbers<[1], [0], [0], [1], [0, 0, 1, 1], [], []>, precision = #tpu.contract_precision<fp32>, transpose_lhs_hint = false} : vector<1x256xf32>, vector<256x81xf32>, vector<1x81xf32> -> vector<1x81xf32>
    %get3A_144 = arith.constant 0 : index
    %get3A_145 = vector.load %arg9[%get3A_144] : memref<81xf32, #tpu.memory_space<vmem>>, vector<81xf32>
    %broadcast_in_dim3A_146 = vector.shape_cast %get3A_145 : vector<81xf32> to vector<1x81xf32>
    %add3A_147 = arith.addf %dot_general3A_143, %broadcast_in_dim3A_146 : vector<1x81xf32>
    %reduce_max3A = arith.constant dense<0xFF800000> : vector<1xf32>
    %reduce_max3A_148 = vector.multi_reduction <maximumf>, %add3A_147, %reduce_max3A [1] : vector<1x81xf32> to vector<1xf32>
    %broadcast_in_dim3A_149 = vector.shape_cast %reduce_max3A_148 : vector<1xf32> to vector<1x1xf32>
    %sub3A_150 = vector.broadcast %broadcast_in_dim3A_149 : vector<1x1xf32> to vector<1x81xf32>
    %sub3A_151 = arith.subf %add3A_147, %sub3A_150 : vector<1x81xf32>
    %exp3A = math.exp %sub3A_151 : vector<1x81xf32>
    %reduce_sum3A_152 = arith.constant dense<0.000000e+00> : vector<1xf32>
    %reduce_sum3A_153 = vector.multi_reduction <add>, %exp3A, %reduce_sum3A_152 [1] : vector<1x81xf32> to vector<1xf32>
    %broadcast_in_dim3A_154 = vector.shape_cast %reduce_sum3A_153 : vector<1xf32> to vector<1x1xf32>
    %log3A = math.log %broadcast_in_dim3A_154 : vector<1x1xf32>
    %sub3A_155 = vector.broadcast %broadcast_in_dim3A_149 : vector<1x1xf32> to vector<1x81xf32>
    %sub3A_156 = arith.subf %add3A_147, %sub3A_155 : vector<1x81xf32>
    %sub3A_157 = vector.broadcast %log3A : vector<1x1xf32> to vector<1x81xf32>
    %sub3A_158 = arith.subf %sub3A_156, %sub3A_157 : vector<1x81xf32>
    %swap3A = arith.constant 0 : index
    %swap3A_159 = arith.constant 0 : index
    %swap3A_160 = vector.load %arg10[%swap3A, %swap3A_159] : memref<1x81xf32, #tpu.memory_space<vmem>>, vector<1x81xf32>
    tpu.vector_store %arg10[%swap3A, %swap3A_159], %sub3A_158 {strides = array<i32>} : memref<1x81xf32, #tpu.memory_space<vmem>>, vector<1x81xf32>,
    return
  }
}

</mosaic_0001>

<sc_bundles>
// kernel: kernel.4.cloned.1.call-start
scs
__scs_entry_jumppad:
0x0: {  	(pc) =	sbr.rel $0x88, $3  }
0x1: {  	(tag) =	ssettag $0x0;
	lr =	simm.s32 $0x1  }
0x2: {  	[smem:$0x3F97] =	sst lr;
	_ =	strace $0xD0000000  }
0x3: {  	_ = 	snop  }
0x4: {  	_ = 	snop  }
0x5: {  	_ = 	snop  }
0x6: {  	_ = 	snop  }
0x7: {  	_ = 	snop  }
__scs_overlays_trampoline_lowered:
0x8: {  	[smem:$0x3FA6] =	sst s0  }
0x9: {  	[smem:$0x3FA7] =	sst s1  }
0xa: {  	[smem:$0x3FA8] =	sst s2  }
0xb: {  	[smem:$0x3FA9] =	sst s3  }
0xc: {  	[smem:$0x3FAA] =	sst s4  }
0xd: {  	[smem:$0x3FAB] =	sst s5  }
0xe: {  	[smem:$0x3FAC] =	sst s6  }
0xf: {  	[smem:$0x3FAD] =	sst s7  }
0x10: {  	[smem:$0x3FAE] =	sst s8  }
0x11: {  	[smem:$0x3FAF] =	sst s9;
	s0 =	simm.s32 @!p0 $0x0  }
0x12: {  	s1 =	sld [smem:$0x3F95];
	s0 =	simm.s32 @p0 $0x1  }
0x13: {  	[smem:$0x3FB0] =	sst s0;
	s0 =	simm.s32 @!p1 $0x0  }
0x14: {  	s2 =	sld [smem:$0x3F94];
	s0 =	simm.s32 @p1 $0x1  }
0x15: {  	[smem:$0x3FB1] =	sst s0;
	s0 =	simm.s32 @!p2 $0x0  }
0x16: {  	s3 =	sld [smem:$0x3FDB];
	s0 =	simm.s32 @p2 $0x1  }
0x17: {  	s4 =	simm.s32 $0x1BF5;
	[smem:$0x3FB3] =	sst s0  }
0x18: {  	s0 =	sld [smem:$0x3F96];
	_ =	swait.ge [sflag:s4], $0x0  }
0x19: {  	s7 =	sld [smem:$0x3F97]  }
0x1a: {  	s8 =	sadd.s32 $0xFFFFE003, lr  }
0x1b: {  	s9 =	sadd.s32 $0xFFFFFEF7, lr;
	s5 =	simm.s32 $0xFFFFFFFF;
	p2 =	slt.u32 s8, $0xFFFFF086  }
0x1c: {  	p1 =	slt.u32 s9, $0xF7A;
	s5 =	simm.s32 @!p2 $0x0  }
0x1d: {  	s5 =	simm.s32 @p1 $0x1;
	p0 =	seq.s32 s7, s2  }
0x1e: {  	s7 =	smul.u32 @!p0 $0xF7A, s2;
	p2 =	seq.s32 @!p0 s5, $0x0  }
0x1f: {  	s9 =	smul.u32 $0xF7A, s1;
	s8 =	simm.s32 @!p0 $0x1BF5;
	p2 =	por !p2, p0  }
0x20: {  	[sflag:s8] =	ssyncset.s32 @!p0 $0xFFFFF086;
	s6 =	sadd.s32 @!p0 s3, s7;
	s7 =	simm.s32 @!p0 $0x108  }
0x21: {  	s3 =	sadd.s32 s3, s9;
	s6 =	sadd.s32 @!p0 $0x88, s6;
	s7 =	simm.s32 @p2 $0x1082  }
0x22: {  	[simem:s7], [sflag:s8] =	dma.local @!p0 [hbm:s6], $0xF7A  }
0x23: {  	s9 =	sor.u32 $0xD0000000, s2;
	s6 =	simm.s32 $0x108;
	_ =	swait.ge @!p0 [sflag:s8], $0x0  }
0x24: {  	s3 =	sadd.s32 $0x88, s3;
	s6 =	simm.s32 @!p1 $0x1082;
	[sflag:s4] =	ssyncset.s32 $0xFFFFF086  }
0x25: {  	[simem:s6], [sflag:s4] =	dma.local [hbm:s3], $0xF7A  }
0x26: {  	[smem:$0x3F97] =	sst s1;
	(tag) =	ssettag s2;
	_ =	strace s9  }
0x27: {  	s1 =	sld [smem:$0x3FA7]  }
0x28: {  	s2 =	sld [smem:$0x3FA8]  }
0x29: {  	s4 =	sld [smem:$0x3FAA]  }
0x2a: {  	p0 =	seq.s32 s5, $0x0;
	s5 =	sld [smem:$0x3FAB]  }
0x2b: {  	s6 =	sld [smem:$0x3FAC]  }
0x2c: {  	s7 =	sld [smem:$0x3FAD]  }
0x2d: {  	s3 =	simm.s32 $0x108;
	s8 =	sld [smem:$0x3FAE]  }
0x2e: {  	s3 =	simm.s32 @!p0 $0x1082;
	s9 =	sld [smem:$0x3FAF]  }
0x2f: {  	lr =	sadd.s32 s0, s3;
	s0 =	sld [smem:$0x3FA6]  }
0x30: {  	s3 =	sld [smem:$0x3FA9]  }
0x31: {  	[smem:$0x3FB2] =	sst s10  }
0x32: {  	s10 =	sld [smem:$0x3FB0];
	_ =	sdelay $0x3  }
0x33: {  	p0 =	seq.s32 s10, $0x1;
	s10 =	sld [smem:$0x3FB2];
	_ =	sdelay $0x3  }
0x34: {  	[smem:$0x3FB2] =	sst s10  }
0x35: {  	s10 =	sld [smem:$0x3FB1];
	_ =	sdelay $0x3  }
0x36: {  	p1 =	seq.s32 s10, $0x1;
	s10 =	sld [smem:$0x3FB2];
	_ =	sdelay $0x3  }
0x37: {  	[smem:$0x3FB2] =	sst s10  }
0x38: {  	s10 =	sld [smem:$0x3FB3]  }
0x39: {  	_ = 	snop;
	(pc) =	sbr.ind lr, $3  }
0x3a: {  	_ = 	snop  }
0x3b: {  	_ = 	snop  }
0x3c: {  	p2 =	seq.s32 s10, $0x1;
	s10 =	sld [smem:$0x3FB2]  }
0x3d: {  	_ =	shalt  }
0x3e: {  	_ =	shalt  }
0x3f: {  	_ =	shalt  }
0x40: {  	_ =	shalt  }
0x41: {  	_ =	shalt  }
0x42: {  	_ =	shalt  }
0x43: {  	_ =	shalt  }
0x44: {  	_ =	shalt  }
0x45: {  	_ =	shalt  }
0x46: {  	_ =	shalt  }
0x47: {  	_ =	shalt  }
0x48: {  	_ =	shalt  }
0x49: {  	_ =	shalt  }
0x4a: {  	_ =	shalt  }
0x4b: {  	_ =	shalt  }
0x4c: {  	_ =	shalt  }
0x4d: {  	_ =	shalt  }
0x4e: {  	_ =	shalt  }
0x4f: {  	_ =	shalt  }
0x50: {  	_ =	shalt  }
0x51: {  	_ =	shalt  }
0x52: {  	_ =	shalt  }
0x53: {  	_ =	shalt  }
0x54: {  	_ =	shalt  }
0x55: {  	_ =	shalt  }
0x56: {  	_ =	shalt  }
0x57: {  	_ =	shalt  }
0x58: {  	_ =	shalt  }
0x59: {  	_ =	shalt  }
0x5a: {  	_ =	shalt  }
0x5b: {  	_ =	shalt  }
0x5c: {  	_ =	shalt  }
0x5d: {  	_ =	shalt  }
0x5e: {  	_ =	shalt  }
0x5f: {  	_ =	shalt  }
0x60: {  	_ =	shalt  }
0x61: {  	_ =	shalt  }
0x62: {  	_ =	shalt  }
0x63: {  	_ =	shalt  }
0x64: {  	_ =	shalt  }
0x65: {  	_ =	shalt  }
0x66: {  	_ =	shalt  }
0x67: {  	_ =	shalt  }
0x68: {  	_ =	shalt  }
0x69: {  	_ =	shalt  }
0x6a: {  	_ =	shalt  }
0x6b: {  	_ =	shalt  }
0x6c: {  	_ =	shalt  }
0x6d: {  	_ =	shalt  }
0x6e: {  	_ =	shalt  }
0x6f: {  	_ =	shalt  }
0x70: {  	_ =	shalt  }
0x71: {  	_ =	shalt  }
0x72: {  	_ =	shalt  }
0x73: {  	_ =	shalt  }
0x74: {  	_ =	shalt  }
0x75: {  	_ =	shalt  }
0x76: {  	_ =	shalt  }
0x77: {  	_ =	shalt  }
0x78: {  	_ =	shalt  }
0x79: {  	_ =	shalt  }
0x7a: {  	_ =	shalt  }
0x7b: {  	_ =	shalt  }
0x7c: {  	_ =	shalt  }
0x7d: {  	_ =	shalt  }
0x7e: {  	_ =	shalt  }
0x7f: {  	_ =	shalt  }
0x80: {  	_ =	shalt  }
0x81: {  	_ =	shalt  }
0x82: {  	_ =	shalt  }
0x83: {  	_ =	shalt  }
0x84: {  	_ =	shalt  }
0x85: {  	_ =	shalt  }
0x86: {  	_ =	shalt  }
0x87: {  	_ =	shalt  }
.Lfunc_end0:
.L_simem_size_0:
called_computation_lowered:
.L_overlay_start_0:
0x88: {  	s0 =	sld [smem:$0x3FD9]  }
0x89: {  	s1 =	sld [smem:$0x3FFE];
	_ =	sdelay $0x3  }
0x8a: {  	s0 =	sadd.s32 s1, s0  }
0x8b: {  	[smem:$0x3FBE] =	sst s0  }
0x8c: {  	_ = 	snop  }
0x8d: {  	s0 =	sld [smem:$0x3FC8];
	(tm) =	ssettm $0x1  }
0x8e: {  	s16 =	sld [smem:$0x3FFB];
	_ =	sdelay $0x3  }
0x8f: {  	_ =	strace s16  }
0x90: {  	s1 =	sld [smem:$0x3FFC];
	_ =	sdelay $0x3  }
0x91: {  	_ =	strace s1  }
0x92: {  	s1 =	sld [smem:$0x3FFD];
	_ =	sdelay $0x3  }
0x93: {  	_ =	strace s1  }
0x94: {  	_ =	strace $0x8FFFFFFF  }
0x95: {  	s17 =	sld [smem:$0x3FDB];
	_ =	sdelay $0x1  }
0x96: {  	s2 =	simm.s32 $_scs_section_size  }
0x97: {  	s3 =	simm.s32 $_size__tile_overlayer_lowered;
	s4 =	simm.s32 $_tile_overlayer_lowered  }
0x98: {  	s20 =	simm.s32 $0x1BFF;
	s19 =	sshll.u32 s4, $0x1;
	s1 =	sadd.s32 s2, s17  }
0x99: {  	s5 =	simm.s32 $0x0;
	s18 =	sshll.u32 s3, $0x1;
	s3 =	sadd.s32 s19, s1  }
0x9a: {  	[timem:s5], [sflag:s20] =	dma.local [hbm:s3], s18  }
0x9b: {  	_ =	swait.ge [sflag:s20], s18  }
0x9c: {  	s2 =	ssub.s32 $0x0, s18;
	[sflag:s20] =	ssyncset.done $0x0  }
0x9d: {  	[sflag:s20] =	ssyncadd.s32 s2;
	_ =	sdelay $0x1  }
0x9e: {  	s21 =	simm.s32 $0x1B8B  }
0x9f: {  	_ =	swait.ge [sflag:s21], $0x1  }
0xa0: {  	[sflag:s21] =	ssyncset.done $0x0  }
0xa1: {  	s23 =	simm.s32 $0x1B8E;
	s22 =	sld [smem:$0x3FFE];
	[sflag:s21] =	ssyncadd.s32 $0xFFFFFFFF  }
0xa2: {  	s24 =	simm.s32 $execute0_lowered;
	[smem:$0x3FD2] =	sst s23  }
0xa3: {  	s3 =	sshll.u32 s24, $0x1;
	_ =	strace $0x80000046;
	[dreg:$0x1] =	wrdreg $0xFFFFFFFF  }
0xa4: {  	s25 =	simm.s32 $_size_execute0_lowered;
	s1 =	sadd.s32 s1, s3;
	[dreg:$0x0] =	wrdreg $0x0  }
0xa5: {  	s3 =	sshll.u32 s25, $0x1;
	[dreg:$0x2] =	wrdreg s1  }
0xa6: {  	[dreg:$0x3] =	wrdreg s3  }
0xa7: {  	[dreg:$0x4] =	wrdreg $0xC0  }
0xa8: {  	_ =	task [dreg:s5], $0x5FFFF  }
0xa9: {  	[dreg:$0x1] =	wrdreg $0xFFFFFFFF  }
0xaa: {  	[dreg:$0x0] =	wrdreg $0x60  }
0xab: {  	[dreg:$0x2] =	wrdreg s0  }
0xac: {  	[dreg:$0x3] =	wrdreg s22  }
0xad: {  	[dreg:$0x4] =	wrdreg $0x9  }
0xae: {  	_ =	task.clear_ibuf [dreg:s5], $0x5FFFF;
	_ =	strace $0x90000046  }
0xaf: {  	s26 =	simm.s32 $0x9;
	_ =	strace $0x80000048  }
0xb0: {  	_ =	swait.ge [sflag:s26], $0x1  }
0xb1: {  	[sflag:s26] =	ssyncadd.s32 $0xFFFFFFFF  }
0xb2: {  	_ =	strace $0x90000048  }
0xb3: {  	_ =	sfence  }
0xb4: {  	s28 =	sld [smem:$0x0];
	_ =	sdelay $0x1  }
0xb5: {  	s29 =	srdreg.scid  }
0xb6: {  	s30 =	sshll.u32 s29, $0xD;
	s31 =	sshrl.u32 s29, $0x2  }
0xb7: {  	s2 =	sand.u32 $0x4000, s30;
	s1 =	sand.u32 $0x1, s29;
	s0 =	sadd.s32 s31, s28  }
0xb8: {  	s1 =	sor.u32 s2, s1;
	s0 =	sshll.u32 s0, $0x11  }
0xb9: {  	s0 =	sor.u32 s0, s1  }
0xba: {  	s0 =	sadd.s32 $0x8F2B, s0  }
0xbb: {  	[sflag:s0] =	ssyncadd.remote.s32 $0x1  }
0xbc: {  	_ =	sfence.sel $0xFFFF  }
0xbd: {  	[dreg:$0x0] =	wrdreg $0xFFFFFFFF;
	(pc) =	sbr.abs _section_cstart, $3  }
0xbe: {  	[dreg:$0x1] =	wrdreg $0xFFFFFFFF  }
0xbf: {  	_ =	task.clear_ibuf [dreg:s5], $0x2FFFF;
	_ =	strace $0x9FFFFFFF  }
0xc0: {  	(tm) =	ssettm $0x7FFFFFFF  }
0xc1: {  	_ =	shalt  }
tec
execute0_lowered:
.L_overlay_start_1:
0x0: {  	(tag) =	ssettag $0x1  }
0x1: {  	s2 =	rddreg [dreg:$0x0]  }
0x2: {  	s3 =	rddreg [dreg:$0x1];
	s4 =	simm.s32 $0x0;
	s1 =	stileid.u32  }
0x3: {  	[smem:$0x7FF] =	sst s4;
	s5 =	sshll.u32 s1, $0x5  }
0x4: {  	s0 =	rddreg [dreg:$0x2];
	_ =	strace $0x80000047;
	s2 =	sadd.s32 s2, s5  }
0x5: {  	[tilespmem:s4], [sflag:$0x1] =	stream.linear.gather [hbm4b:s2+s4], $0x80, $0x38;
	[tilespmem:$0x2D00] =	vst v63  }
0x6: {  	s31 =	simm.s32 $0x80;
	s2 =	sadd.s32 $0x10, s2  }
0x7: {  	[tilespmem:s31], [sflag:$0x1] =	stream.linear.gather [hbm4b:s2+s4], $0x80, $0x38;
	[tilespmem:$0x2D00] =	vst v63  }
0x8: {  	v0 =	vimm.f32 $0.0e+00;
	s2 =	sadd.s32 $0x1800, s3;
	s3 =	simm.s32 $0x0;
	s4 =	simm.s32 $0x1000  }
.LBB2_1:
0x9: {  	p0 =	sne.s32 s4, $0xA000;
	[tilespmem:s3+$0x4D0] =	vst v0  }
0xa: {  	[tilespmem:s3+$0x100] =	vst v0  }
0xb: {  	[tilespmem:s3+$0x110] =	vst v0  }
0xc: {  	[tilespmem:s3+$0x120] =	vst v0  }
0xd: {  	[tilespmem:s3+$0x130] =	vst v0  }
0xe: {  	[tilespmem:s3+$0x140] =	vst v0  }
0xf: {  	[tilespmem:s3+$0x150] =	vst v0  }
0x10: {  	[tilespmem:s3+$0x180] =	vst v0  }
0x11: {  	[tilespmem:s3+$0x190] =	vst v0  }
0x12: {  	[tilespmem:s3+$0x1A0] =	vst v0  }
0x13: {  	[tilespmem:s3+$0x1B0] =	vst v0  }
0x14: {  	[tilespmem:s3+$0x1C0] =	vst v0  }
0x15: {  	[tilespmem:s3+$0x1D0] =	vst v0  }
0x16: {  	[tilespmem:s3+$0x200] =	vst v0  }
0x17: {  	[tilespmem:s3+$0x210] =	vst v0  }
0x18: {  	[tilespmem:s3+$0x220] =	vst v0  }
0x19: {  	[tilespmem:s3+$0x230] =	vst v0  }
0x1a: {  	[tilespmem:s3+$0x240] =	vst v0  }
0x1b: {  	[tilespmem:s3+$0x250] =	vst v0  }
0x1c: {  	[tilespmem:s3+$0x280] =	vst v0  }
0x1d: {  	[tilespmem:s3+$0x290] =	vst v0  }
0x1e: {  	[tilespmem:s3+$0x2A0] =	vst v0  }
0x1f: {  	[tilespmem:s3+$0x2B0] =	vst v0  }
0x20: {  	[tilespmem:s3+$0x2C0] =	vst v0  }
0x21: {  	[tilespmem:s3+$0x2D0] =	vst v0  }
0x22: {  	[tilespmem:s3+$0x300] =	vst v0  }
0x23: {  	[tilespmem:s3+$0x310] =	vst v0  }
0x24: {  	[tilespmem:s3+$0x320] =	vst v0  }
0x25: {  	[tilespmem:s3+$0x330] =	vst v0  }
0x26: {  	[tilespmem:s3+$0x340] =	vst v0  }
0x27: {  	[tilespmem:s3+$0x350] =	vst v0  }
0x28: {  	[tilespmem:s3+$0x380] =	vst v0  }
0x29: {  	[tilespmem:s3+$0x390] =	vst v0  }
0x2a: {  	[tilespmem:s3+$0x3A0] =	vst v0  }
0x2b: {  	[tilespmem:s3+$0x3B0] =	vst v0  }
0x2c: {  	[tilespmem:s3+$0x3C0] =	vst v0  }
0x2d: {  	[tilespmem:s3+$0x3D0] =	vst v0  }
0x2e: {  	[tilespmem:s3+$0x400] =	vst v0  }
0x2f: {  	[tilespmem:s3+$0x410] =	vst v0  }
0x30: {  	[tilespmem:s3+$0x420] =	vst v0  }
0x31: {  	[tilespmem:s3+$0x430] =	vst v0  }
0x32: {  	[tilespmem:s3+$0x440] =	vst v0  }
0x33: {  	[tilespmem:s3+$0x450] =	vst v0  }
.Ltmp0:
0x34: {  	[tilespmem:s3+$0x480] =	vst v0;
	(pc) =	sbr.rel @p0 .LBB2_1-.Ltmp0, $4  }
0x35: {  	[tilespmem:s3+$0x490] =	vst v0  }
0x36: {  	[tilespmem:s3+$0x4A0] =	vst v0  }
0x37: {  	[tilespmem:s3+$0x4B0] =	vst v0  }
0x38: {  	[tilespmem:s3+$0x4C0] =	vst v0;
	s3 =	sshra.s32 s4, $0x2;
	s4 =	sadd.s32 $0x1000, s4  }
0x39: {  	[tilespmem:s3+$0x4D0] =	vst v0  }
0x3a: {  	[tilespmem:s3+$0x100] =	vst v0  }
0x3b: {  	[tilespmem:s3+$0x110] =	vst v0  }
0x3c: {  	[tilespmem:s3+$0x120] =	vst v0  }
0x3d: {  	[tilespmem:s3+$0x130] =	vst v0  }
0x3e: {  	[tilespmem:s3+$0x140] =	vst v0  }
0x3f: {  	[tilespmem:s3+$0x150] =	vst v0  }
0x40: {  	[tilespmem:s3+$0x180] =	vst v0  }
0x41: {  	[tilespmem:s3+$0x190] =	vst v0  }
0x42: {  	[tilespmem:s3+$0x1A0] =	vst v0  }
0x43: {  	[tilespmem:s3+$0x1B0] =	vst v0  }
0x44: {  	[tilespmem:s3+$0x1C0] =	vst v0  }
0x45: {  	[tilespmem:s3+$0x1D0] =	vst v0  }
0x46: {  	[tilespmem:s3+$0x200] =	vst v0  }
0x47: {  	[tilespmem:s3+$0x210] =	vst v0  }
0x48: {  	[tilespmem:s3+$0x220] =	vst v0  }
0x49: {  	[tilespmem:s3+$0x230] =	vst v0  }
0x4a: {  	[tilespmem:s3+$0x240] =	vst v0  }
0x4b: {  	[tilespmem:s3+$0x250] =	vst v0  }
0x4c: {  	[tilespmem:s3+$0x280] =	vst v0  }
0x4d: {  	[tilespmem:s3+$0x290] =	vst v0  }
0x4e: {  	[tilespmem:s3+$0x2A0] =	vst v0  }
0x4f: {  	[tilespmem:s3+$0x2B0] =	vst v0  }
0x50: {  	[tilespmem:s3+$0x2C0] =	vst v0  }
0x51: {  	[tilespmem:s3+$0x2D0] =	vst v0  }
0x52: {  	[tilespmem:s3+$0x300] =	vst v0  }
0x53: {  	[tilespmem:s3+$0x310] =	vst v0  }
0x54: {  	[tilespmem:s3+$0x320] =	vst v0  }
0x55: {  	[tilespmem:s3+$0x330] =	vst v0  }
0x56: {  	[tilespmem:s3+$0x340] =	vst v0  }
0x57: {  	[tilespmem:s3+$0x350] =	vst v0  }
0x58: {  	[tilespmem:s3+$0x380] =	vst v0  }
0x59: {  	[tilespmem:s3+$0x390] =	vst v0  }
0x5a: {  	[tilespmem:s3+$0x3A0] =	vst v0  }
0x5b: {  	[tilespmem:s3+$0x3B0] =	vst v0  }
0x5c: {  	[tilespmem:s3+$0x3C0] =	vst v0  }
0x5d: {  	[tilespmem:s3+$0x3D0] =	vst v0  }
0x5e: {  	[tilespmem:s3+$0x400] =	vst v0  }
0x5f: {  	[tilespmem:s3+$0x410] =	vst v0  }
0x60: {  	[tilespmem:s3+$0x420] =	vst v0  }
0x61: {  	[tilespmem:s3+$0x430] =	vst v0  }
0x62: {  	[tilespmem:s3+$0x440] =	vst v0  }
0x63: {  	[tilespmem:s3+$0x450] =	vst v0  }
0x64: {  	[tilespmem:s3+$0x480] =	vst v0  }
0x65: {  	[tilespmem:s3+$0x490] =	vst v0  }
0x66: {  	[tilespmem:s3+$0x4A0] =	vst v0  }
0x67: {  	[tilespmem:s3+$0x4B0] =	vst v0  }
0x68: {  	[tilespmem:s3+$0x4C0] =	vst v0;
	s18 =	simm.s32 $0x1  }
0x69: {  	_ =	swait.ge [sflag:s18], $0x80  }
0x6a: {  	[sflag:s18] =	ssyncset.done $0x0  }
0x6b: {  	[sflag:s18] =	ssyncadd.s32 $0xFFFFFF80  }
0x6c: {  	_ =	swait.ge [sflag:s18], $0x80  }
0x6d: {  	[sflag:s18] =	ssyncset.done $0x0  }
0x6e: {  	s19 =	simm.s32 $0x0;
	[sflag:s18] =	ssyncadd.s32 $0xFFFFFF80  }
0x6f: {  	v0 =	vld [tilespmem:s19+$0x80]  }
0x70: {  	v2 =	vld [tilespmem:s19+$0x0];
	_ =	sdelay $0x3  }
0x71: {  	v0 =	vshll.u32 v0, $0x9  }
0x72: {  	(v2sf) =	vpush v2, $0x0;
	v1 =	vshra.s32 v0, $0x2  }
0x73: {  	(v2sf) =	vpush v1, $0x0;
	_ =	sdelay $0x6  }
0x74: {  	(v2sf) =	vpush v2, $0x1  }
0x75: {  	(v2sf) =	vpush v1, $0x1;
	_ =	sdelay $0x5  }
0x76: {  	(v2sf) =	vpush v1, $0x2;
	s20 =	spop (v2sf)  }
0x77: {  	(v2sf) =	vpush v2, $0x2;
	s4 =	sand.u32 $0xFFFFFF80, s20;
	s5 =	spop (v2sf)  }
0x78: {  	s3 =	sand.u32 $0x7F, s20;
	s4 =	sadd.s32 s4, s5  }
0x79: {  	s3 =	sor.u32 s3, s4  }
0x7a: {  	v3 =	vld [tilespmem:s3+$0x100];
	_ =	sdelay $0x2  }
0x7b: {  	vm0 =	vcmask $0x300;
	v0 =	vimm.f32 $0.0e+00  }
0x7c: {  	v0 =	vsel vm0, $0x3F800000, v0;
	s21 =	spop (v2sf)  }
0x7d: {  	(v2sf) =	vpush v2, $0x3;
	s22 =	spop (v2sf);
	s6 =	sand.u32 $0xFFFFFF80, s21;
	v3 =	vadd.f32 v0, v3  }
0x7e: {  	(v2sf) =	vpush v1, $0x3;
	s4 =	sand.u32 $0x7F, s21;
	s5 =	sadd.s32 s6, s22  }
0x7f: {  	s23 =	sor.u32 s4, s5;
	[tilespmem:s3+$0x100] =	vst v3  }
0x80: {  	v3 =	vld [tilespmem:s23+$0x100];
	_ =	sdelay $0x2  }
0x81: {  	s24 =	spop (v2sf)  }
0x82: {  	s25 =	spop (v2sf)  }
0x83: {  	(v2sf) =	vpush v2, $0x4;
	s26 =	sand.u32 $0xFFFFFF80, s25;
	v3 =	vadd.f32 v0, v3  }
0x84: {  	(v2sf) =	vpush v1, $0x4;
	s5 =	sand.u32 $0x7F, s25;
	s4 =	sadd.s32 s26, s24  }
0x85: {  	s28 =	sor.u32 s5, s4;
	[tilespmem:s23+$0x100] =	vst v3  }
0x86: {  	v3 =	vld [tilespmem:s28+$0x100];
	_ =	sdelay $0x3  }
0x87: {  	s29 =	spop (v2sf)  }
0x88: {  	(v2sf) =	vpush v2, $0x5;
	s30 =	sand.u32 $0xFFFFFF80, s29;
	s31 =	spop (v2sf);
	v3 =	vadd.f32 v0, v3  }
0x89: {  	(v2sf) =	vpush v1, $0x5;
	s4 =	sand.u32 $0x7F, s29;
	s5 =	sadd.s32 s30, s31  }
0x8a: {  	s7 =	sor.u32 s4, s5;
	[tilespmem:s28+$0x100] =	vst v3  }
0x8b: {  	v3 =	vld [tilespmem:s7+$0x100];
	_ =	sdelay $0x3  }
0x8c: {  	s8 =	spop (v2sf)  }
0x8d: {  	(v2sf) =	vpush v2, $0x6;
	s9 =	sand.u32 $0xFFFFFF80, s8;
	s10 =	spop (v2sf);
	v3 =	vadd.f32 v0, v3  }
0x8e: {  	(v2sf) =	vpush v1, $0x6;
	s4 =	sand.u32 $0x7F, s8;
	s5 =	sadd.s32 s9, s10  }
0x8f: {  	s11 =	sor.u32 s4, s5;
	[tilespmem:s7+$0x100] =	vst v3  }
0x90: {  	v3 =	vld [tilespmem:s11+$0x100];
	_ =	sdelay $0x3  }
0x91: {  	s12 =	spop (v2sf)  }
0x92: {  	(v2sf) =	vpush v2, $0x7;
	s13 =	sand.u32 $0xFFFFFF80, s12;
	s14 =	spop (v2sf);
	v3 =	vadd.f32 v0, v3  }
0x93: {  	(v2sf) =	vpush v1, $0x7;
	s4 =	sand.u32 $0x7F, s12;
	s5 =	sadd.s32 s13, s14  }
0x94: {  	s15 =	sor.u32 s4, s5;
	[tilespmem:s11+$0x100] =	vst v3  }
0x95: {  	v3 =	vld [tilespmem:s15+$0x100];
	_ =	sdelay $0x3  }
0x96: {  	s16 =	spop (v2sf)  }
0x97: {  	(v2sf) =	vpush v2, $0x8;
	s17 =	sand.u32 $0xFFFFFF80, s16;
	s18 =	spop (v2sf);
	v3 =	vadd.f32 v0, v3  }
0x98: {  	(v2sf) =	vpush v1, $0x8;
	s4 =	sand.u32 $0x7F, s16;
	s5 =	sadd.s32 s17, s18  }
0x99: {  	s19 =	sor.u32 s4, s5;
	[tilespmem:s15+$0x100] =	vst v3  }
0x9a: {  	v3 =	vld [tilespmem:s19+$0x100];
	_ =	sdelay $0x3  }
0x9b: {  	s20 =	spop (v2sf)  }
0x9c: {  	(v2sf) =	vpush v2, $0x9;
	s21 =	sand.u32 $0xFFFFFF80, s20;
	s22 =	spop (v2sf);
	v3 =	vadd.f32 v0, v3  }
0x9d: {  	(v2sf) =	vpush v1, $0x9;
	s4 =	sand.u32 $0x7F, s20;
	s5 =	sadd.s32 s21, s22  }
0x9e: {  	s23 =	sor.u32 s4, s5;
	[tilespmem:s19+$0x100] =	vst v3  }
0x9f: {  	v3 =	vld [tilespmem:s23+$0x100];
	_ =	sdelay $0x3  }
0xa0: {  	(v2sf) =	vpush v1, $0xA;
	s24 =	spop (v2sf)  }
0xa1: {  	(v2sf) =	vpush v2, $0xA;
	s25 =	sand.u32 $0xFFFFFF80, s24;
	s26 =	spop (v2sf);
	v3 =	vadd.f32 v0, v3  }
0xa2: {  	s4 =	sand.u32 $0x7F, s24;
	s5 =	sadd.s32 s25, s26  }
0xa3: {  	s28 =	sor.u32 s4, s5;
	[tilespmem:s23+$0x100] =	vst v3  }
0xa4: {  	v3 =	vld [tilespmem:s28+$0x100];
	_ =	sdelay $0x3  }
0xa5: {  	s29 =	spop (v2sf)  }
0xa6: {  	(v2sf) =	vpush v2, $0xB;
	s30 =	sand.u32 $0xFFFFFF80, s29;
	s31 =	spop (v2sf);
	v3 =	vadd.f32 v0, v3  }
0xa7: {  	(v2sf) =	vpush v1, $0xB;
	s4 =	sand.u32 $0x7F, s29;
	s5 =	sadd.s32 s30, s31  }
0xa8: {  	s7 =	sor.u32 s4, s5;
	[tilespmem:s28+$0x100] =	vst v3  }
0xa9: {  	v3 =	vld [tilespmem:s7+$0x100];
	_ =	sdelay $0x2  }
0xaa: {  	s8 =	spop (v2sf)  }
0xab: {  	s9 =	spop (v2sf)  }
0xac: {  	(v2sf) =	vpush v2, $0xC;
	s10 =	sand.u32 $0xFFFFFF80, s9;
	v3 =	vadd.f32 v0, v3  }
0xad: {  	(v2sf) =	vpush v1, $0xC;
	s5 =	sand.u32 $0x7F, s9;
	s4 =	sadd.s32 s10, s8  }
0xae: {  	s11 =	sor.u32 s5, s4;
	[tilespmem:s7+$0x100] =	vst v3  }
0xaf: {  	v3 =	vld [tilespmem:s11+$0x100];
	_ =	sdelay $0x3  }
0xb0: {  	s12 =	spop (v2sf)  }
0xb1: {  	(v2sf) =	vpush v2, $0xD;
	s13 =	sand.u32 $0xFFFFFF80, s12;
	s14 =	spop (v2sf);
	v3 =	vadd.f32 v0, v3  }
0xb2: {  	(v2sf) =	vpush v1, $0xD;
	s4 =	sand.u32 $0x7F, s12;
	s5 =	sadd.s32 s13, s14  }
0xb3: {  	s15 =	sor.u32 s4, s5;
	[tilespmem:s11+$0x100] =	vst v3  }
0xb4: {  	v3 =	vld [tilespmem:s15+$0x100];
	_ =	sdelay $0x3  }
0xb5: {  	s16 =	spop (v2sf)  }
0xb6: {  	(v2sf) =	vpush v2, $0xE;
	s17 =	sand.u32 $0xFFFFFF80, s16;
	s18 =	spop (v2sf);
	v3 =	vadd.f32 v0, v3  }
0xb7: {  	(v2sf) =	vpush v1, $0xE;
	s4 =	sand.u32 $0x7F, s16;
	s5 =	sadd.s32 s17, s18  }
0xb8: {  	s19 =	sor.u32 s4, s5;
	[tilespmem:s15+$0x100] =	vst v3  }
0xb9: {  	v3 =	vld [tilespmem:s19+$0x100];
	_ =	sdelay $0x3  }
0xba: {  	s20 =	spop (v2sf)  }
0xbb: {  	(v2sf) =	vpush v2, $0xF;
	s21 =	sand.u32 $0xFFFFFF80, s20;
	s22 =	spop (v2sf);
	v2 =	vadd.f32 v0, v3  }
0xbc: {  	(v2sf) =	vpush v1, $0xF;
	s4 =	sand.u32 $0x7F, s20;
	s5 =	sadd.s32 s21, s22  }
0xbd: {  	s23 =	sor.u32 s4, s5;
	[tilespmem:s19+$0x100] =	vst v2  }
0xbe: {  	v1 =	vld [tilespmem:s23+$0x100];
	_ =	sdelay $0x3  }
0xbf: {  	s24 =	spop (v2sf)  }
0xc0: {  	s25 =	sand.u32 $0xFFFFFF80, s24;
	s26 =	spop (v2sf);
	v1 =	vadd.f32 v0, v1  }
0xc1: {  	s4 =	sand.u32 $0x7F, s24;
	s5 =	sadd.s32 s25, s26  }
0xc2: {  	s28 =	sor.u32 s4, s5;
	[tilespmem:s23+$0x100] =	vst v1  }
0xc3: {  	v1 =	vld [tilespmem:s28+$0x100];
	_ =	sdelay $0x3  }
0xc4: {  	s29 =	spop (v2sf)  }
0xc5: {  	s30 =	sand.u32 $0xFFFFFF80, s29;
	s31 =	spop (v2sf);
	v1 =	vadd.f32 v0, v1  }
0xc6: {  	s4 =	sand.u32 $0x7F, s29;
	s5 =	sadd.s32 s30, s31  }
0xc7: {  	s5 =	sor.u32 s4, s5;
	[tilespmem:s28+$0x100] =	vst v1  }
0xc8: {  	v1 =	vld [tilespmem:s5+$0x100];
	_ =	sdelay $0x4  }
0xc9: {  	s3 =	simm.s32 $0x40;
	s4 =	simm.s32 $0x80;
	v1 =	vadd.f32 v0, v1  }
.LBB2_3:
0xca: {  	p0 =	sne.s32 s4, $0x1C0  }
0xcb: {  	s6 =	sshra.s32 s3, $0x2;
	s3 =	smov.u32 s4;
	s4 =	sadd.s32 $0x40, s4;
	[tilespmem:s5+$0x100] =	vst v1  }
0xcc: {  	v1 =	vld [tilespmem:s6+$0x80]  }
0xcd: {  	v2 =	vld [tilespmem:s6+$0x0];
	_ =	sdelay $0x3  }
0xce: {  	v1 =	vshll.u32 v1, $0x9  }
0xcf: {  	v1 =	vshra.s32 v1, $0x2;
	(v2sf) =	vpush v2, $0x0  }
0xd0: {  	(v2sf) =	vpush v1, $0x0  }
0xd1: {  	(v2sf) =	vpush v2, $0x1  }
0xd2: {  	(v2sf) =	vpush v1, $0x1  }
0xd3: {  	(v2sf) =	vpush v1, $0x2  }
0xd4: {  	(v2sf) =	vpush v2, $0x2  }
0xd5: {  	(v2sf) =	vpush v2, $0x3  }
0xd6: {  	(v2sf) =	vpush v1, $0x3  }
0xd7: {  	(v2sf) =	vpush v2, $0x4  }
0xd8: {  	(v2sf) =	vpush v1, $0x4  }
0xd9: {  	(v2sf) =	vpush v2, $0x5  }
0xda: {  	(v2sf) =	vpush v1, $0x5  }
0xdb: {  	(v2sf) =	vpush v2, $0x6  }
0xdc: {  	(v2sf) =	vpush v1, $0x6  }
0xdd: {  	(v2sf) =	vpush v2, $0x7  }
0xde: {  	s5 =	spop (v2sf);
	(v2sf) =	vpush v1, $0x7  }
0xdf: {  	s6 =	sand.u32 $0xFFFFFF80, s5;
	s7 =	spop (v2sf);
	(v2sf) =	vpush v2, $0x8  }
0xe0: {  	s5 =	sand.u32 $0x7F, s5;
	s6 =	sadd.s32 s6, s7;
	s7 =	spop (v2sf);
	(v2sf) =	vpush v1, $0x8  }
0xe1: {  	s8 =	sor.u32 s5, s6;
	s9 =	sand.u32 $0x7F, s7;
	s5 =	spop (v2sf);
	(v2sf) =	vpush v2, $0x9  }
0xe2: {  	s6 =	sand.u32 $0xFFFFFF80, s7;
	v3 =	vld [tilespmem:s8+$0x100];
	s7 =	spop (v2sf);
	(v2sf) =	vpush v1, $0x9  }
0xe3: {  	s10 =	sadd.s32 s6, s5;
	s11 =	spop (v2sf);
	(v2sf) =	vpush v1, $0xA  }
0xe4: {  	s6 =	sand.u32 $0xFFFFFF80, s11;
	s5 =	spop (v2sf);
	(v2sf) =	vpush v2, $0xA  }
0xe5: {  	s7 =	sadd.s32 s6, s7;
	s6 =	sand.u32 $0xFFFFFF80, s5;
	s12 =	spop (v2sf);
	(v2sf) =	vpush v2, $0xB  }
0xe6: {  	s6 =	sadd.s32 s6, s12;
	s26 =	spop (v2sf)  }
0xe7: {  	v3 =	vadd.f32 v0, v3;
	s12 =	sand.u32 $0xFFFFFF80, s26;
	s13 =	spop (v2sf);
	(v2sf) =	vpush v1, $0xB  }
0xe8: {  	s29 =	sadd.s32 s12, s13;
	s24 =	spop (v2sf);
	(v2sf) =	vpush v2, $0xC  }
0xe9: {  	[tilespmem:s8+$0x100] =	vst v3;
	s8 =	sor.u32 s9, s10;
	s9 =	sand.u32 $0xFFFFFF80, s24;
	s10 =	spop (v2sf);
	(v2sf) =	vpush v1, $0xC  }
0xea: {  	v3 =	vld [tilespmem:s8+$0x100];
	s28 =	sadd.s32 s9, s10;
	s23 =	spop (v2sf);
	(v2sf) =	vpush v2, $0xD  }
0xeb: {  	s9 =	sand.u32 $0xFFFFFF80, s23;
	s10 =	spop (v2sf);
	(v2sf) =	vpush v1, $0xD  }
0xec: {  	s25 =	sadd.s32 s9, s10;
	s20 =	spop (v2sf);
	(v2sf) =	vpush v2, $0xE  }
0xed: {  	s9 =	sand.u32 $0xFFFFFF80, s20;
	s10 =	spop (v2sf);
	(v2sf) =	vpush v1, $0xE  }
0xee: {  	s22 =	sadd.s32 s9, s10;
	s18 =	spop (v2sf);
	(v2sf) =	vpush v2, $0xF  }
0xef: {  	v2 =	vadd.f32 v0, v3;
	s9 =	sand.u32 $0xFFFFFF80, s18;
	s10 =	spop (v2sf);
	(v2sf) =	vpush v1, $0xF  }
0xf0: {  	s11 =	sand.u32 $0x7F, s11;
	s21 =	sadd.s32 s9, s10;
	s16 =	spop (v2sf)  }
0xf1: {  	s7 =	sor.u32 s11, s7;
	[tilespmem:s8+$0x100] =	vst v2;
	s8 =	sand.u32 $0xFFFFFF80, s16;
	s9 =	spop (v2sf)  }
0xf2: {  	v1 =	vld [tilespmem:s7+$0x100];
	s19 =	sadd.s32 s8, s9;
	s8 =	spop (v2sf)  }
0xf3: {  	s15 =	spop (v2sf)  }
0xf4: {  	s9 =	sand.u32 $0xFFFFFF80, s15;
	s10 =	spop (v2sf)  }
0xf5: {  	s17 =	sadd.s32 s9, s8;
	s8 =	sand.u32 $0xFFFFFF80, s10;
	s12 =	sand.u32 $0x7F, s10  }
0xf6: {  	s9 =	spop (v2sf)  }
0xf7: {  	v1 =	vadd.f32 v0, v1;
	s14 =	sadd.s32 s8, s9;
	s11 =	spop (v2sf)  }
0xf8: {  	s5 =	sand.u32 $0x7F, s5;
	s8 =	sand.u32 $0xFFFFFF80, s11;
	s9 =	spop (v2sf)  }
0xf9: {  	s30 =	sor.u32 s5, s6;
	[tilespmem:s7+$0x100] =	vst v1;
	s13 =	sadd.s32 s8, s9;
	s9 =	spop (v2sf)  }
0xfa: {  	v1 =	vld [tilespmem:s30+$0x100];
	s5 =	sand.u32 $0xFFFFFF80, s9;
	s6 =	spop (v2sf)  }
0xfb: {  	s10 =	sadd.s32 s5, s6;
	s7 =	spop (v2sf)  }
0xfc: {  	s5 =	sand.u32 $0xFFFFFF80, s7;
	s6 =	spop (v2sf)  }
0xfd: {  	s8 =	sadd.s32 s5, s6;
	s5 =	spop (v2sf)  }
0xfe: {  	s6 =	sand.u32 $0xFFFFFF80, s5;
	s31 =	spop (v2sf)  }
0xff: {  	v1 =	vadd.f32 v0, v1;
	s6 =	sadd.s32 s6, s31  }
0x100: {  	s26 =	sand.u32 $0x7F, s26  }
0x101: {  	s26 =	sor.u32 s26, s29;
	[tilespmem:s30+$0x100] =	vst v1  }
0x102: {  	v1 =	vld [tilespmem:s26+$0x100];
	_ =	sdelay $0x4  }
0x103: {  	v1 =	vadd.f32 v0, v1  }
0x104: {  	s24 =	sand.u32 $0x7F, s24  }
0x105: {  	s24 =	sor.u32 s24, s28;
	[tilespmem:s26+$0x100] =	vst v1  }
0x106: {  	v1 =	vld [tilespmem:s24+$0x100];
	_ =	sdelay $0x4  }
0x107: {  	v1 =	vadd.f32 v0, v1  }
0x108: {  	s23 =	sand.u32 $0x7F, s23  }
0x109: {  	s23 =	sor.u32 s23, s25;
	[tilespmem:s24+$0x100] =	vst v1  }
0x10a: {  	v1 =	vld [tilespmem:s23+$0x100];
	_ =	sdelay $0x4  }
0x10b: {  	v1 =	vadd.f32 v0, v1  }
0x10c: {  	s20 =	sand.u32 $0x7F, s20  }
0x10d: {  	s20 =	sor.u32 s20, s22;
	[tilespmem:s23+$0x100] =	vst v1  }
0x10e: {  	v1 =	vld [tilespmem:s20+$0x100];
	_ =	sdelay $0x4  }
0x10f: {  	v1 =	vadd.f32 v0, v1  }
0x110: {  	s18 =	sand.u32 $0x7F, s18  }
0x111: {  	s18 =	sor.u32 s18, s21;
	[tilespmem:s20+$0x100] =	vst v1  }
0x112: {  	v1 =	vld [tilespmem:s18+$0x100];
	_ =	sdelay $0x4  }
0x113: {  	v1 =	vadd.f32 v0, v1  }
0x114: {  	s16 =	sand.u32 $0x7F, s16  }
0x115: {  	s16 =	sor.u32 s16, s19;
	[tilespmem:s18+$0x100] =	vst v1  }
0x116: {  	v1 =	vld [tilespmem:s16+$0x100];
	_ =	sdelay $0x4  }
0x117: {  	v1 =	vadd.f32 v0, v1  }
0x118: {  	s15 =	sand.u32 $0x7F, s15  }
0x119: {  	s15 =	sor.u32 s15, s17;
	[tilespmem:s16+$0x100] =	vst v1  }
0x11a: {  	v1 =	vld [tilespmem:s15+$0x100];
	_ =	sdelay $0x4  }
0x11b: {  	v1 =	vadd.f32 v0, v1;
	_ =	sdelay $0x1  }
0x11c: {  	s12 =	sor.u32 s12, s14;
	[tilespmem:s15+$0x100] =	vst v1  }
0x11d: {  	v1 =	vld [tilespmem:s12+$0x100];
	_ =	sdelay $0x4  }
0x11e: {  	v1 =	vadd.f32 v0, v1  }
0x11f: {  	s11 =	sand.u32 $0x7F, s11  }
0x120: {  	s11 =	sor.u32 s11, s13;
	[tilespmem:s12+$0x100] =	vst v1  }
0x121: {  	v1 =	vld [tilespmem:s11+$0x100];
	_ =	sdelay $0x4  }
0x122: {  	v1 =	vadd.f32 v0, v1  }
0x123: {  	s9 =	sand.u32 $0x7F, s9  }
0x124: {  	s9 =	sor.u32 s9, s10;
	[tilespmem:s11+$0x100] =	vst v1  }
0x125: {  	v1 =	vld [tilespmem:s9+$0x100];
	_ =	sdelay $0x4  }
0x126: {  	v1 =	vadd.f32 v0, v1  }
0x127: {  	s7 =	sand.u32 $0x7F, s7  }
0x128: {  	s7 =	sor.u32 s7, s8;
	[tilespmem:s9+$0x100] =	vst v1  }
0x129: {  	v1 =	vld [tilespmem:s7+$0x100];
	_ =	sdelay $0x4  }
0x12a: {  	v1 =	vadd.f32 v0, v1  }
0x12b: {  	s5 =	sand.u32 $0x7F, s5  }
0x12c: {  	s5 =	sor.u32 s5, s6;
	[tilespmem:s7+$0x100] =	vst v1  }
0x12d: {  	v1 =	vld [tilespmem:s5+$0x100]  }
.Ltmp1:
0x12e: {  	(pc) =	sbr.rel @p0 .LBB2_3-.Ltmp1, $2  }
0x12f: {  	_ =	sdelay $0x2  }
0x130: {  	v1 =	vadd.f32 v0, v1  }
0x131: {  	_ = 	snop  }
0x132: {  	s3 =	sshra.s32 s3, $0x2;
	[tilespmem:s5+$0x100] =	vst v1  }
0x133: {  	v1 =	vld [tilespmem:s3+$0x80]  }
0x134: {  	v2 =	vld [tilespmem:s3+$0x0];
	_ =	sdelay $0x3  }
0x135: {  	v1 =	vshll.u32 v1, $0x9  }
0x136: {  	(v2sf) =	vpush v2, $0x0;
	v1 =	vshra.s32 v1, $0x2  }
0x137: {  	(v2sf) =	vpush v1, $0x0;
	_ =	sdelay $0x6  }
0x138: {  	(v2sf) =	vpush v2, $0x1  }
0x139: {  	(v2sf) =	vpush v1, $0x1;
	_ =	sdelay $0x5  }
0x13a: {  	(v2sf) =	vpush v1, $0x2;
	s14 =	spop (v2sf)  }
0x13b: {  	(v2sf) =	vpush v2, $0x2;
	s4 =	sand.u32 $0xFFFFFF80, s14;
	s15 =	spop (v2sf)  }
0x13c: {  	s3 =	sand.u32 $0x7F, s14;
	s4 =	sadd.s32 s4, s15  }
0x13d: {  	s3 =	sor.u32 s3, s4  }
0x13e: {  	v3 =	vld [tilespmem:s3+$0x100];
	_ =	sdelay $0x3  }
0x13f: {  	s16 =	spop (v2sf)  }
0x140: {  	(v2sf) =	vpush v2, $0x3;
	s17 =	spop (v2sf);
	s6 =	sand.u32 $0xFFFFFF80, s16;
	v3 =	vadd.f32 v0, v3  }
0x141: {  	(v2sf) =	vpush v1, $0x3;
	s4 =	sand.u32 $0x7F, s16;
	s5 =	sadd.s32 s6, s17  }
0x142: {  	s18 =	sor.u32 s4, s5;
	[tilespmem:s3+$0x100] =	vst v3  }
0x143: {  	v3 =	vld [tilespmem:s18+$0x100];
	_ =	sdelay $0x2  }
0x144: {  	s19 =	spop (v2sf)  }
0x145: {  	s20 =	spop (v2sf)  }
0x146: {  	(v2sf) =	vpush v2, $0x4;
	s21 =	sand.u32 $0xFFFFFF80, s20;
	v3 =	vadd.f32 v0, v3  }
0x147: {  	(v2sf) =	vpush v1, $0x4;
	s5 =	sand.u32 $0x7F, s20;
	s4 =	sadd.s32 s21, s19  }
0x148: {  	s22 =	sor.u32 s5, s4;
	[tilespmem:s18+$0x100] =	vst v3  }
0x149: {  	v3 =	vld [tilespmem:s22+$0x100];
	_ =	sdelay $0x3  }
0x14a: {  	s23 =	spop (v2sf)  }
0x14b: {  	(v2sf) =	vpush v2, $0x5;
	s24 =	sand.u32 $0xFFFFFF80, s23;
	s25 =	spop (v2sf);
	v3 =	vadd.f32 v0, v3  }
0x14c: {  	(v2sf) =	vpush v1, $0x5;
	s4 =	sand.u32 $0x7F, s23;
	s5 =	sadd.s32 s24, s25  }
0x14d: {  	s26 =	sor.u32 s4, s5;
	[tilespmem:s22+$0x100] =	vst v3  }
0x14e: {  	v3 =	vld [tilespmem:s26+$0x100];
	_ =	sdelay $0x3  }
0x14f: {  	s28 =	spop (v2sf)  }
0x150: {  	(v2sf) =	vpush v2, $0x6;
	s29 =	sand.u32 $0xFFFFFF80, s28;
	s30 =	spop (v2sf);
	v3 =	vadd.f32 v0, v3  }
0x151: {  	(v2sf) =	vpush v1, $0x6;
	s4 =	sand.u32 $0x7F, s28;
	s5 =	sadd.s32 s29, s30  }
0x152: {  	s31 =	sor.u32 s4, s5;
	[tilespmem:s26+$0x100] =	vst v3  }
0x153: {  	v3 =	vld [tilespmem:s31+$0x100];
	_ =	sdelay $0x3  }
0x154: {  	s7 =	spop (v2sf)  }
0x155: {  	(v2sf) =	vpush v2, $0x7;
	s8 =	sand.u32 $0xFFFFFF80, s7;
	s9 =	spop (v2sf);
	v3 =	vadd.f32 v0, v3  }
0x156: {  	(v2sf) =	vpush v1, $0x7;
	s4 =	sand.u32 $0x7F, s7;
	s5 =	sadd.s32 s8, s9  }
0x157: {  	s10 =	sor.u32 s4, s5;
	[tilespmem:s31+$0x100] =	vst v3  }
0x158: {  	v3 =	vld [tilespmem:s10+$0x100];
	_ =	sdelay $0x3  }
0x159: {  	s11 =	spop (v2sf)  }
0x15a: {  	(v2sf) =	vpush v2, $0x8;
	s12 =	sand.u32 $0xFFFFFF80, s11;
	s13 =	spop (v2sf);
	v3 =	vadd.f32 v0, v3  }
0x15b: {  	(v2sf) =	vpush v1, $0x8;
	s4 =	sand.u32 $0x7F, s11;
	s5 =	sadd.s32 s12, s13  }
0x15c: {  	s14 =	sor.u32 s4, s5;
	[tilespmem:s10+$0x100] =	vst v3  }
0x15d: {  	v3 =	vld [tilespmem:s14+$0x100];
	_ =	sdelay $0x3  }
0x15e: {  	s15 =	spop (v2sf)  }
0x15f: {  	(v2sf) =	vpush v2, $0x9;
	s16 =	sand.u32 $0xFFFFFF80, s15;
	s17 =	spop (v2sf);
	v3 =	vadd.f32 v0, v3  }
0x160: {  	(v2sf) =	vpush v1, $0x9;
	s4 =	sand.u32 $0x7F, s15;
	s5 =	sadd.s32 s16, s17  }
0x161: {  	s18 =	sor.u32 s4, s5;
	[tilespmem:s14+$0x100] =	vst v3  }
0x162: {  	v3 =	vld [tilespmem:s18+$0x100];
	_ =	sdelay $0x3  }
0x163: {  	(v2sf) =	vpush v1, $0xA;
	s19 =	spop (v2sf)  }
0x164: {  	(v2sf) =	vpush v2, $0xA;
	s20 =	sand.u32 $0xFFFFFF80, s19;
	s21 =	spop (v2sf);
	v3 =	vadd.f32 v0, v3  }
0x165: {  	s4 =	sand.u32 $0x7F, s19;
	s5 =	sadd.s32 s20, s21  }
0x166: {  	s22 =	sor.u32 s4, s5;
	[tilespmem:s18+$0x100] =	vst v3  }
0x167: {  	v3 =	vld [tilespmem:s22+$0x100];
	_ =	sdelay $0x3  }
0x168: {  	s23 =	spop (v2sf)  }
0x169: {  	(v2sf) =	vpush v2, $0xB;
	s24 =	sand.u32 $0xFFFFFF80, s23;
	s25 =	spop (v2sf);
	v3 =	vadd.f32 v0, v3  }
0x16a: {  	(v2sf) =	vpush v1, $0xB;
	s4 =	sand.u32 $0x7F, s23;
	s5 =	sadd.s32 s24, s25  }
0x16b: {  	s26 =	sor.u32 s4, s5;
	[tilespmem:s22+$0x100] =	vst v3  }
0x16c: {  	v3 =	vld [tilespmem:s26+$0x100];
	_ =	sdelay $0x2  }
0x16d: {  	s28 =	spop (v2sf)  }
0x16e: {  	s29 =	spop (v2sf)  }
0x16f: {  	(v2sf) =	vpush v2, $0xC;
	s30 =	sand.u32 $0xFFFFFF80, s29;
	v3 =	vadd.f32 v0, v3  }
0x170: {  	(v2sf) =	vpush v1, $0xC;
	s5 =	sand.u32 $0x7F, s29;
	s4 =	sadd.s32 s30, s28  }
0x171: {  	s31 =	sor.u32 s5, s4;
	[tilespmem:s26+$0x100] =	vst v3  }
0x172: {  	v3 =	vld [tilespmem:s31+$0x100];
	_ =	sdelay $0x3  }
0x173: {  	s7 =	spop (v2sf)  }
0x174: {  	(v2sf) =	vpush v2, $0xD;
	s8 =	sand.u32 $0xFFFFFF80, s7;
	s9 =	spop (v2sf);
	v3 =	vadd.f32 v0, v3  }
0x175: {  	(v2sf) =	vpush v1, $0xD;
	s4 =	sand.u32 $0x7F, s7;
	s5 =	sadd.s32 s8, s9  }
0x176: {  	s10 =	sor.u32 s4, s5;
	[tilespmem:s31+$0x100] =	vst v3  }
0x177: {  	v3 =	vld [tilespmem:s10+$0x100];
	_ =	sdelay $0x3  }
0x178: {  	s11 =	spop (v2sf)  }
0x179: {  	(v2sf) =	vpush v2, $0xE;
	s12 =	sand.u32 $0xFFFFFF80, s11;
	s13 =	spop (v2sf);
	v3 =	vadd.f32 v0, v3  }
0x17a: {  	(v2sf) =	vpush v1, $0xE;
	s4 =	sand.u32 $0x7F, s11;
	s5 =	sadd.s32 s12, s13  }
0x17b: {  	s14 =	sor.u32 s4, s5;
	[tilespmem:s10+$0x100] =	vst v3  }
0x17c: {  	v3 =	vld [tilespmem:s14+$0x100];
	_ =	sdelay $0x3  }
0x17d: {  	s15 =	spop (v2sf)  }
0x17e: {  	(v2sf) =	vpush v2, $0xF;
	s16 =	sand.u32 $0xFFFFFF80, s15;
	s17 =	spop (v2sf);
	v61 =	vadd.f32 v0, v3  }
0x17f: {  	(v2sf) =	vpush v1, $0xF;
	s4 =	sand.u32 $0x7F, s15;
	s5 =	sadd.s32 s16, s17  }
0x180: {  	s18 =	sor.u32 s4, s5;
	[tilespmem:s14+$0x100] =	vst v61  }
0x181: {  	v62 =	vld [tilespmem:s18+$0x100];
	_ =	sdelay $0x3  }
0x182: {  	s19 =	spop (v2sf)  }
0x183: {  	s20 =	sand.u32 $0xFFFFFF80, s19;
	s21 =	spop (v2sf);
	v1 =	vadd.f32 v0, v62  }
0x184: {  	s4 =	sand.u32 $0x7F, s19;
	s5 =	sadd.s32 s20, s21  }
0x185: {  	s22 =	sor.u32 s4, s5;
	[tilespmem:s18+$0x100] =	vst v1  }
0x186: {  	v1 =	vld [tilespmem:s22+$0x100];
	_ =	sdelay $0x3  }
0x187: {  	s23 =	spop (v2sf)  }
0x188: {  	s24 =	sand.u32 $0xFFFFFF80, s23;
	s25 =	spop (v2sf);
	v1 =	vadd.f32 v0, v1  }
0x189: {  	s4 =	sand.u32 $0x7F, s23;
	s5 =	sadd.s32 s24, s25  }
0x18a: {  	s26 =	sor.u32 s4, s5;
	[tilespmem:s22+$0x100] =	vst v1  }
0x18b: {  	v1 =	vld [tilespmem:s26+$0x100];
	_ =	sdelay $0x4  }
0x18c: {  	s28 =	smul.u32 $0x580, s1;
	v63 =	vadd.f32 v0, v1  }
0x18d: {  	s29 =	simm.s32 $0x0  }
0x18e: {  	s30 =	simm.s32 $0x100;
	s2 =	sadd.s32 s2, s28;
	s31 =	simm.s32 $0x2;
	[tilespmem:s26+$0x100] =	vst v63  }
0x18f: {  	[hbm4b:s2+s29] =	stream.linear.scatter [tilespmem:s30], [sflag:$0x2], $0x2C00, $0x38;
	[tilespmem:$0x2D00] =	vst v63  }
0x190: {  	_ =	swait.ge [sflag:s31], $0x2C00  }
0x191: {  	[sflag:s31] =	ssyncset.done $0x0  }
0x192: {  	[sflag:s31] =	ssyncadd.s32 $0xFFFFD400  }
0x193: {  	_ =	sfence.sel $0x180000  }
0x194: {  	[bflag:$0x0] =	sbarrier.arrive $0xFFFF  }
0x195: {  	p0 =	sne.s32 s1, $0x0;
	_ =	strace $0x90000047  }
0x196: {  	s0 =	sadd.s32 @!p0 $0x100000, s0;
	[bflag:$0x2] =	sbarrier.arrive $0xFFFF  }
0x197: {  	[sflag:s0] =	ssyncadd.tile.s32 @!p0 $0x1;
	_ =	shalt  }
.Lfunc_end2:
_tile_overlayer_lowered:
.L_overlay_start_2:
0x198: {  	(tag) =	ssettag $0x2  }
0x199: {  	s0 =	rddreg [dreg:$0x0];
	s2 =	stileid.u32  }
0x19a: {  	s1 =	rddreg [dreg:$0x1];
	p0 =	sne.s32 s2, $0x0  }
0x19b: {  	s3 =	rddreg [dreg:$0x2];
	[bflag:$0x3] =	sbarrier.arrive $0xFFFF;
	s2 =	simm.s32 @!p0 $0x1C02  }
0x19c: {  	[timem:s3], [sflag:s2] =	dma.local @!p0 [hbm:s0], s1  }
0x19d: {  	s0 =	simm.s32 @!p0 $0x2  }
0x19e: {  	_ =	swait.ge @!p0 [sflag:s0], s1  }
0x19f: {  	s1 =	ssub.s32 @!p0 $0x0, s1;
	[sflag:s0] =	ssyncset.done @!p0 $0x0  }
0x1a0: {  	[sflag:s0] =	ssyncadd.s32 @!p0 s1  }
0x1a1: {  	[bflag:$0x3] =	sbarrier.arrive $0xFFFF  }
0x1a2: {  	_ =	shalt  }

</sc_bundles>
